<compile_context>
chip_gen: v7x
topology: tpu7x:2x2x1
jax: 0.10.2.dev20260603
libtpu: 0.0.44.dev20260713+nightly
codegen_flags: <defaults>
</compile_context>

<pallas_src>
import functools

import jax
import jax.numpy as jnp
from jax.experimental import pallas as pl
from jax.experimental.pallas import tpu as pltpu
from jax.experimental.pallas import tpu_sc as plsc

N = 4096
BLK = 512
NB = N // BLK
P = 512
K0 = 400
TAIL = ((400, 300), (300, 200), (200, 100))
F32 = jnp.float32
BF16 = jnp.bfloat16


def _k12_body(h_ref, wt_ref, g_ref, bt_ref, hcol_ref, gbf_ref):
    gblk = g_ref[...]
    gbf = gblk.astype(BF16)
    gbf_ref[...] = gbf
    M = jnp.dot(gbf, h_ref[...].astype(BF16), preferred_element_type=F32)
    s = jnp.dot(M.astype(BF16), wt_ref[...].astype(BF16),
                preferred_element_type=F32)
    hcol_ref[...] = jax.nn.relu(s + bt_ref[0])


def _stage12(g, h, W_top, b_top):
    return pl.pallas_call(
        _k12_body,
        grid=(NB,),
        in_specs=[
            pl.BlockSpec((N, 256), lambda r: (0, 0)),
            pl.BlockSpec((256, 1), lambda r: (0, 0)),
            pl.BlockSpec((BLK, N), lambda r: (r, 0)),
            pl.BlockSpec(memory_space=pltpu.SMEM),
        ],
        out_specs=(pl.BlockSpec((BLK, 1), lambda r: (r, 0)),
                   pl.BlockSpec((BLK, N), lambda r: (r, 0))),
        out_shape=(jax.ShapeDtypeStruct((N, 1), F32),
                   jax.ShapeDtypeStruct((N, N), BF16)),
    )(h, W_top.reshape(256, 1), g, b_top)


def _t_col(rowv, ident):
    return jax.lax.dot_general(ident, rowv, (((1,), (1,)), ((), ())),
                               preferred_element_type=F32,
                               precision=jax.lax.Precision.HIGHEST)


def _k345_body(gbf_ref, hs_ref, hcol_ref, par_ref, idx_ref, newh_ref,
               sT8, rT8):
    t = pl.program_id(0)
    ident = (jax.lax.broadcasted_iota(jnp.int32, (BLK, BLK), 0)
             == jax.lax.broadcasted_iota(jnp.int32, (BLK, BLK), 1)
             ).astype(F32)
    ones = jnp.ones((BLK, 1), F32)

    @pl.when(t < NB)
    def _():
        s = jnp.dot(gbf_ref[...], hs_ref[...], preferred_element_type=F32)
        w = jax.nn.relu(s * par_ref[0] + par_ref[1])
        sT8[pl.ds(t, 1), :] = _t_row(jax.nn.sigmoid(w), ident)

    @pl.when((t >= NB) & (t < 2 * NB))
    def _():
        r = t - NB
        s_a = _t_col(sT8[pl.ds(r, 1), :], ident)
        acc = jnp.zeros((BLK, 1), F32)
        for cc in range(NB):
            s_b = sT8[cc:cc + 1, :]
            a_idx = (jax.lax.broadcasted_iota(jnp.int32, (BLK, BLK), 0)
                     + r * BLK)
            b_idx = (jax.lax.broadcasted_iota(jnp.int32, (BLK, BLK), 1)
                     + cc * BLK)
            gt = (s_b > s_a).astype(F32)
            eq = ((s_b == s_a) & (b_idx < a_idx)).astype(F32)
            acc += jnp.dot(gt + eq, ones, preferred_element_type=F32)
        rT8[pl.ds(r, 1), :] = _t_row(acc, ident)

    @pl.when(t == 2 * NB)
    def _():
        slot = jax.lax.broadcasted_iota(jnp.int32, (BLK, 1), 0)
        slot_f = slot.astype(F32)
        Y = jnp.zeros((BLK, 3), F32)
        for cc in range(NB):
            rank_row = rT8[cc:cc + 1, :]
            P0 = (rank_row == slot_f).astype(F32)
            sc_col = _t_col(sT8[cc:cc + 1, :], ident)
            ar = (jax.lax.broadcasted_iota(jnp.int32, (BLK, 1), 0)
                  + cc * BLK).astype(F32)
            hcc = hcol_ref[cc * BLK:(cc + 1) * BLK, :]
            Xcc = jnp.concatenate([ar, sc_col, hcc], axis=1)
            Y += jnp.dot(P0, Xcc, preferred_element_type=F32,
                         precision=jax.lax.Precision.HIGHEST)
        idx_f = Y[:, 0:1]
        vals = Y[:, 1:2]
        hsel = Y[:, 2:3]
        rvalid = slot < K0
        idx_ref[...] = jnp.where(rvalid, idx_f, 0.0).astype(jnp.int32)
        newh_ref[...] = jnp.where(rvalid, hsel * vals, 0.0)


def _stage345(g_bf, h_col, wp0, bp0):
    hs = h_col.astype(BF16)
    par = jnp.concatenate([wp0.reshape(-1), bp0.reshape(-1)])
    return pl.pallas_call(
        _k345_body,
        grid=(2 * NB + 1,),
        in_specs=[
            pl.BlockSpec((BLK, N), lambda t: (jnp.minimum(t, NB - 1), 0)),
            pl.BlockSpec((N, 1), lambda t: (0, 0)),
            pl.BlockSpec((N, 1), lambda t: (0, 0)),
            pl.BlockSpec(memory_space=pltpu.SMEM),
        ],
        out_specs=(pl.BlockSpec((P, 1), lambda t: (0, 0)),
                   pl.BlockSpec((P, 1), lambda t: (0, 0))),
        out_shape=(jax.ShapeDtypeStruct((P, 1), jnp.int32),
                   jax.ShapeDtypeStruct((P, 1), F32)),
        scratch_shapes=[pltpu.VMEM((NB, BLK), F32),
                        pltpu.VMEM((NB, BLK), F32)],
    )(g_bf, hs, h_col, par)


def _sc_gather_rows(g, idx):
    info = plsc.get_sparse_core_info()
    nw = info.num_cores * info.num_subcores
    bpw = P // nw
    nw_used = K0 // bpw
    mesh = plsc.VectorSubcoreMesh(core_axis_name="c", subcore_axis_name="s")

    @functools.partial(
        pl.kernel,
        out_type=jax.ShapeDtypeStruct((K0, N), F32),
        mesh=mesh,
        scratch_types=[
            pltpu.VMEM((bpw,), jnp.int32),
            pltpu.VMEM((bpw, N), F32),
            pltpu.SemaphoreType.DMA,
        ],
    )
    def k(table_hbm, idx_hbm, out_hbm, idx_v, rows_v, sem):
        wid = jax.lax.axis_index("s") * info.num_cores + jax.lax.axis_index("c")

        @pl.when(wid < nw_used)
        def _():
            base = wid * bpw
            pltpu.sync_copy(idx_hbm.at[pl.ds(base, bpw)], idx_v)
            pltpu.async_copy(table_hbm.at[idx_v], rows_v, sem).wait()
            pltpu.sync_copy(rows_v, out_hbm.at[pl.ds(base, bpw)])

    return k(g, idx)


def _t_row(colv, ident):
    return jax.lax.dot_general(colv, ident, (((0,), (0,)), ((), ())),
                               preferred_element_type=F32,
                               precision=jax.lax.Precision.HIGHEST)


def _k6_body(R_ref, g_ref, idxT_ref, newh_ref, wd_ref, par_ref,
             o0_ref, o1_ref, o2_ref, o3_ref, facc_ref):
    j = pl.program_id(0)
    Rb = (R_ref[...] != 0).astype(BF16)
    gb = g_ref[...]
    acc = jnp.dot(Rb, gb, preferred_element_type=F32)

    @pl.when(j == 0)
    def _():
        facc_ref[...] = acc

    @pl.when(j > 0)
    def _():
        facc_ref[...] += acc

    @pl.when(j == NB - 1)
    def _():
        row_i = jax.lax.broadcasted_iota(jnp.int32, (P, 1), 0)
        ident = (jax.lax.broadcasted_iota(jnp.int32, (P, P), 0)
                 == jax.lax.broadcasted_iota(jnp.int32, (P, P), 1)
                 ).astype(F32)

        B2 = (facc_ref[...] != 0).astype(BF16)
        jrow = jax.lax.broadcasted_iota(jnp.int32, (N, P), 0)
        bcol = jax.lax.broadcasted_iota(jnp.int32, (N, P), 1)
        S = ((jrow == idxT_ref[...]) & (bcol < K0)).astype(BF16)
        un2 = jnp.dot(B2, S, preferred_element_type=F32)
        un2 = jnp.concatenate(
            [un2, jnp.zeros((P - K0, P), F32)], axis=0)
        ones_p = jnp.ones((P, 1), F32)
        deg = jnp.dot(un2, ones_p, preferred_element_type=F32)
        G = un2 / jnp.maximum(_t_row(deg, ident), 1.0)

        newh = newh_ref[...]
        newh_row = _t_row(newh, ident)
        A = (G.astype(BF16).astype(F32)
             * newh_row.astype(BF16).astype(F32))
        hv = jax.nn.relu(
            jnp.dot(A.astype(BF16), wd_ref[:, 0:1].astype(BF16),
                    preferred_element_type=F32) + par_ref[6])
        hv = hv * (row_i < K0).astype(F32)
        o0_ref[...] = hv[0:400, :]

        outrefs = (None, o1_ref, o2_ref, o3_ref)
        for lvl, (n_prev, kk) in enumerate(TAIL, start=1):
            wp = par_ref[2 * (lvl - 1)]
            bp = par_ref[2 * (lvl - 1) + 1]
            bd = par_ref[6 + lvl]
            s_pre = jnp.dot(G.astype(BF16), hv.astype(BF16),
                            preferred_element_type=F32)
            w = jax.nn.relu(s_pre * wp + bp)
            sc = jnp.where(row_i < n_prev, jax.nn.sigmoid(w), -1.0)
            sc_row = _t_row(sc, ident)
            a_idx = jax.lax.broadcasted_iota(jnp.int32, (P, P), 0)
            b_idx = jax.lax.broadcasted_iota(jnp.int32, (P, P), 1)
            gt = (sc_row > sc).astype(F32)
            eq = ((sc_row == sc) & (b_idx < a_idx)).astype(F32)
            rank = jnp.dot(gt + eq, ones_p,
                           preferred_element_type=F32)
            rank_row = _t_row(rank, ident)
            Psel = ((rank_row == row_i.astype(F32))
                    & (row_i < kk)).astype(F32)
            vals = jnp.dot(Psel, sc, preferred_element_type=F32,
                           precision=jax.lax.Precision.HIGHEST)
            newh_l = jnp.dot(Psel, hv, preferred_element_type=F32,
                             precision=jax.lax.Precision.HIGHEST) * vals
            un = (G != 0).astype(BF16)
            un2f = jnp.dot(un, un, preferred_element_type=F32)
            B2l = (un2f != 0).astype(F32)
            T1 = jnp.dot(Psel, B2l, preferred_element_type=F32)
            un2l = jax.lax.dot_general(T1, Psel, (((1,), (1,)), ((), ())),
                                       preferred_element_type=F32)
            degl = jnp.dot(un2l, ones_p, preferred_element_type=F32)
            G = un2l / jnp.maximum(_t_row(degl, ident), 1.0)
            newh_row = _t_row(newh_l, ident)
            A = (G.astype(BF16).astype(F32)
                 * newh_row.astype(BF16).astype(F32))
            hv = jax.nn.relu(
                jnp.dot(A.astype(BF16), wd_ref[:, lvl:lvl + 1].astype(BF16),
                        preferred_element_type=F32) + bd)
            hv = hv * (row_i < kk).astype(F32)
            outrefs[lvl][...] = hv[0:kk, :]


def _stage6(R, g_bf, idxT, newh, wd_cols, par):
    return pl.pallas_call(
        _k6_body,
        grid=(NB,),
        in_specs=[
            pl.BlockSpec((K0, BLK), lambda j: (0, j)),
            pl.BlockSpec((BLK, N), lambda j: (j, 0)),
            pl.BlockSpec((1, P), lambda j: (0, 0)),
            pl.BlockSpec((P, 1), lambda j: (0, 0)),
            pl.BlockSpec((P, 4), lambda j: (0, 0)),
            pl.BlockSpec(memory_space=pltpu.SMEM),
        ],
        out_specs=(pl.BlockSpec((400, 1), lambda j: (0, 0)),
                   pl.BlockSpec((300, 1), lambda j: (0, 0)),
                   pl.BlockSpec((200, 1), lambda j: (0, 0)),
                   pl.BlockSpec((100, 1), lambda j: (0, 0))),
        out_shape=(jax.ShapeDtypeStruct((400, 1), F32),
                   jax.ShapeDtypeStruct((300, 1), F32),
                   jax.ShapeDtypeStruct((200, 1), F32),
                   jax.ShapeDtypeStruct((100, 1), F32)),
        scratch_shapes=[pltpu.VMEM((K0, N), F32)],
    )(R, g_bf, idxT, newh, wd_cols, par)


def kernel(g, h, W_top, b_top, W_p0, b_p0, W_p1, b_p1, W_p2, b_p2,
           W_p3, b_p3, W_d0, b_d0, W_d1, b_d1, W_d2, b_d2, W_d3, b_d3):
    h_col, g_bf = _stage12(g, h, W_top, b_top)
    idx_col, newh = _stage345(g_bf, h_col, W_p0, b_p0)
    R = _sc_gather_rows(g, idx_col.reshape(P))

    wd_cols = jnp.stack(
        [jnp.pad(W_d0.reshape(-1), (0, P - W_d0.size)),
         jnp.pad(W_d1.reshape(-1), (0, P - W_d1.size)),
         jnp.pad(W_d2.reshape(-1), (0, P - W_d2.size)),
         jnp.pad(W_d3.reshape(-1), (0, P - W_d3.size))], axis=1)
    par = jnp.concatenate([
        W_p1.reshape(-1), b_p1.reshape(-1),
        W_p2.reshape(-1), b_p2.reshape(-1),
        W_p3.reshape(-1), b_p3.reshape(-1),
        b_d0.reshape(-1), b_d1.reshape(-1),
        b_d2.reshape(-1), b_d3.reshape(-1)])

    o0, o1, o2, o3 = _stage6(R, g_bf, idx_col.reshape(1, P), newh,
                             wd_cols, par)
    return jnp.concatenate([h_col, o0, o1, o2, o3], axis=0)

# --- scband reference (transcript-rebuilt; emitter-appended) ---
"""Pipeline reference for scband-graph-sag-32083405701297 (READ-ONLY COPY).

The authoritative reference and input builder live on the scoring server;
editing this copy changes nothing except your own understanding.
"""

import jax, jax.numpy as jnp
import numpy as np

KS = (0.09765625, 0.75, 0.6667, 0.5)


def _norm_g(g):
    degrees = jnp.sum(g, 1)
    return g / degrees


def _gcn(g, h, W, b):
    h = jnp.matmul(g, h)
    h = jnp.matmul(h, W.T) + b
    return jax.nn.relu(h)


def _top_k_graph(scores, g, h, k):
    num_nodes = g.shape[0]
    kk = max(2, int(k * num_nodes))
    values, idx = jax.lax.top_k(scores, kk)
    new_h = h[idx, :] * values[:, None]
    un_g = (g != 0).astype(jnp.float32)
    un_g = (jnp.matmul(un_g, un_g) != 0).astype(jnp.float32)
    un_g = un_g[idx, :][:, idx]
    g2 = _norm_g(un_g)
    return g2, new_h, idx


def setup_inputs(seed: int = 0):
    key = jax.random.key(seed)
    kg, kh, kw, kp, kd = jax.random.split(key, 5)
    N, in_dim = 4096, 256
    u = jax.random.uniform(kg, (N, N))
    g = (u < 0.004).astype(jnp.float32)
    g = jnp.maximum(g, jnp.eye(N, dtype=jnp.float32))
    h = jax.random.normal(kh, (N, in_dim), dtype=jnp.float32)
    inp = {"g": g, "h": h}
    inp["W_top"] = jax.random.normal(kw, (1, in_dim), dtype=jnp.float32) * 0.05
    inp["b_top"] = jnp.zeros((1,), jnp.float32)
    for i in range(4):
        inp[f"W_p{i}"] = jax.random.normal(jax.random.fold_in(kp, i), (1, 1), dtype=jnp.float32) * 0.5
        inp[f"b_p{i}"] = jnp.zeros((1,), jnp.float32)
    ddims = [400, 300, 200, 100]
    for i, d in enumerate(ddims):
        inp[f"W_d{i}"] = jax.random.normal(jax.random.fold_in(kd, i), (1, d), dtype=jnp.float32) * 0.05
        inp[f"b_d{i}"] = jnp.zeros((1,), jnp.float32)
    return inp


def reference(g, h, W_top, b_top, W_p0, b_p0, W_p1, b_p1, W_p2, b_p2, W_p3, b_p3, W_d0, b_d0, W_d1, b_d1, W_d2, b_d2, W_d3, b_d3):
    Wp = [(W_p0, b_p0), (W_p1, b_p1), (W_p2, b_p2), (W_p3, b_p3)]
    Wd = [(W_d0, b_d0), (W_d1, b_d1), (W_d2, b_d2), (W_d3, b_d3)]
    h = _gcn(g, h, W_top, b_top)
    h1 = h
    for i in range(4):
        Z = h
        weights = jnp.squeeze(_gcn(g, Z, Wp[i][0], Wp[i][1]))
        scores = jax.nn.sigmoid(weights)
        g, h, idx = _top_k_graph(scores, g, h, KS[i])
        h = _gcn(g, jnp.diag(jnp.squeeze(h)), Wd[i][0], Wd[i][1])
        h1 = jnp.concatenate([h1, h], axis=0)
    return h1

if __name__ == "__main__":
    import jax
    _d = setup_inputs()
    print(jax.jit(kernel)(*tuple(_d.values())))

</pallas_src>

<mosaic_0001>
#map = affine_map<(d0, d1) -> (0, 0)>
#map1 = affine_map<(d0, d1) -> (0)>
module attributes {stable_mosaic.version = 14 : i64} {
  func.func @k(%arg0: i32, %arg1: i32, %arg2: memref<4096x4096xf32, #tpu.memory_space<hbm>>, %arg3: memref<512xi32, #tpu.memory_space<hbm>>, %arg4: memref<400x4096xf32, #tpu.memory_space<hbm>>, %arg5: memref<16xi32, #tpu.memory_space<vmem>>, %arg6: memref<16x4096xf32, #tpu.memory_space<vmem>>, %arg7: memref<!tpu.dma_semaphore, #tpu.memory_space<semaphore_mem>>) attributes {dimension_semantics = [#tpu.dimension_semantics<core_parallel>, #tpu.dimension_semantics<subcore_parallel>], iteration_bounds = array<i64: 2, 16>, scalar_prefetch = 0 : i64, scratch_operands = 3 : i64, tpu.core_type = #tpu.core_type<sc_vector_subcore>, window_params = [{transform_indices = #map}, {transform_indices = #map1}, {transform_indices = #map}]} {
    %mul3A = arith.constant 2 : i32
    %mul3A_0 = arith.muli %arg1, %mul3A : i32
    %add3A = arith.addi %mul3A_0, %arg0 : i32
    %lt3A = arith.constant 25 : i32
    %lt3A_1 = arith.cmpi slt, %add3A, %lt3A : i32
    %convert_element_type3A = arith.extui %lt3A_1 : i1 to i32
    %cond3A = arith.constant 0 : i32
    %cond3A_2 = arith.cmpi ne, %convert_element_type3A, %cond3A : i32
    scf.if %cond3A_2 {
      %mul3A_3 = arith.constant 16 : i32
      %mul3A_4 = arith.muli %add3A, %mul3A_3 : i32
      "tpu.region"() ({
        %run_scoped3A = tpu.sem_alloc : memref<!tpu.dma_semaphore, #tpu.memory_space<semaphore_mem>>
        %dma_start3A_9 = tpu.memref_slice %arg3[%mul3A_4] : memref<512xi32, #tpu.memory_space<hbm>> -> memref<16xi32, #tpu.memory_space<hbm>>
        %dma_start3A_10 = tpu.memref_slice %arg3[%mul3A_4] : memref<512xi32, #tpu.memory_space<hbm>> -> memref<16xi32, #tpu.memory_space<hbm>>
        tpu.enqueue_dma source(%dma_start3A_10 : memref<16xi32, #tpu.memory_space<hbm>>) target(%arg5 : memref<16xi32, #tpu.memory_space<vmem>>) target_semaphore(%run_scoped3A : memref<!tpu.dma_semaphore, #tpu.memory_space<semaphore_mem>>)
        %dma_wait3A_11 = tpu.memref_slice %arg3[%mul3A_4] : memref<512xi32, #tpu.memory_space<hbm>> -> memref<16xi32, #tpu.memory_space<hbm>>
        %dma_wait3A_12 = tpu.memref_slice %arg3[%mul3A_4] : memref<512xi32, #tpu.memory_space<hbm>> -> memref<16xi32, #tpu.memory_space<hbm>>
        tpu.wait_dma2 semaphore(%run_scoped3A : memref<!tpu.dma_semaphore, #tpu.memory_space<semaphore_mem>>) src(%dma_wait3A_12 : memref<16xi32, #tpu.memory_space<hbm>>) dst(%arg5 : memref<16xi32, #tpu.memory_space<vmem>>)
        tpu.yield
      }) : () -> ()
      %dma_start3A = arith.constant 0 : i32
      %dma_start3A_5 = arith.constant 0 : i32
      %dma_start3A_6 = tpu.memref_slice %arg2[%dma_start3A, %dma_start3A_5] : memref<4096x4096xf32, #tpu.memory_space<hbm>> -> memref<4096x4096xf32, #tpu.memory_space<hbm>>
      tpu.enqueue_indirect_dma source(%dma_start3A_6 : memref<4096x4096xf32, #tpu.memory_space<hbm>>) target(%arg6 : memref<16x4096xf32, #tpu.memory_space<vmem>>) offsets(%arg5 : memref<16xi32, #tpu.memory_space<vmem>>) semaphore(%arg7 : memref<!tpu.dma_semaphore, #tpu.memory_space<semaphore_mem>>)
      %dma_wait3A = arith.constant 0 : i32
      %dma_wait3A_7 = arith.constant 0 : i32
      %dma_wait3A_8 = tpu.memref_slice %arg2[%dma_wait3A, %dma_wait3A_7] : memref<4096x4096xf32, #tpu.memory_space<hbm>> -> memref<4096x4096xf32, #tpu.memory_space<hbm>>
      tpu.wait_indirect_dma semaphore(%arg7 : memref<!tpu.dma_semaphore, #tpu.memory_space<semaphore_mem>>) src(%dma_wait3A_8 : memref<4096x4096xf32, #tpu.memory_space<hbm>>) dst(%arg6 : memref<16x4096xf32, #tpu.memory_space<vmem>>)
      "tpu.region"() ({
        %run_scoped3A = tpu.sem_alloc : memref<!tpu.dma_semaphore, #tpu.memory_space<semaphore_mem>>
        %dma_start3A_9 = arith.constant 0 : i32
        %dma_start3A_10 = tpu.memref_slice %arg4[%mul3A_4, %dma_start3A_9] : memref<400x4096xf32, #tpu.memory_space<hbm>> -> memref<16x4096xf32, #tpu.memory_space<hbm>>
        %dma_start3A_11 = arith.constant 0 : i32
        %dma_start3A_12 = tpu.memref_slice %arg4[%mul3A_4, %dma_start3A_11] : memref<400x4096xf32, #tpu.memory_space<hbm>> -> memref<16x4096xf32, #tpu.memory_space<hbm>>
        tpu.enqueue_dma source(%arg6 : memref<16x4096xf32, #tpu.memory_space<vmem>>) target(%dma_start3A_12 : memref<16x4096xf32, #tpu.memory_space<hbm>>) target_semaphore(%run_scoped3A : memref<!tpu.dma_semaphore, #tpu.memory_space<semaphore_mem>>)
        %dma_wait3A_13 = arith.constant 0 : i32
        %dma_wait3A_14 = tpu.memref_slice %arg4[%mul3A_4, %dma_wait3A_13] : memref<400x4096xf32, #tpu.memory_space<hbm>> -> memref<16x4096xf32, #tpu.memory_space<hbm>>
        %dma_wait3A_15 = arith.constant 0 : i32
        %dma_wait3A_16 = tpu.memref_slice %arg4[%mul3A_4, %dma_wait3A_15] : memref<400x4096xf32, #tpu.memory_space<hbm>> -> memref<16x4096xf32, #tpu.memory_space<hbm>>
        tpu.wait_dma2 semaphore(%run_scoped3A : memref<!tpu.dma_semaphore, #tpu.memory_space<semaphore_mem>>) src(%arg6 : memref<16x4096xf32, #tpu.memory_space<vmem>>) dst(%dma_wait3A_16 : memref<16x4096xf32, #tpu.memory_space<hbm>>)
        tpu.yield
      }) : () -> ()
    } else {
    }
    return
  }
}

module attributes {stable_mosaic.version = 14 : i64} {
  func.func @_k12_body(%arg0: i32, %arg1: memref<4096x256xf32, #tpu.memory_space<vmem>>, %arg2: memref<256x1xf32, #tpu.memory_space<vmem>>, %arg3: memref<512x4096xf32, #tpu.memory_space<vmem>>, %arg4: memref<1xf32, #tpu.memory_space<smem>>, %arg5: memref<512x1xf32, #tpu.memory_space<vmem>>, %arg6: memref<512x4096xbf16, #tpu.memory_space<vmem>>) attributes {dimension_semantics = [#tpu.dimension_semantics<arbitrary>], iteration_bounds = array<i64: 8>, scalar_prefetch = 0 : i64, scratch_operands = 0 : i64, tpu.core_type = #tpu.core_type<tc>, window_params = [{pipeline_mode = #tpu.pipeline_mode<synchronous>, transform_indices = @transform_0, window_bounds = array<i64: 4096, 256>}, {pipeline_mode = #tpu.pipeline_mode<synchronous>, transform_indices = @transform_1, window_bounds = array<i64: 256, 1>}, {transform_indices = @transform_2, window_bounds = array<i64: 512, 4096>}, {transform_indices = @transform_3, window_bounds = array<i64: 1>}, {transform_indices = @transform_4, window_bounds = array<i64: 512, 1>}, {transform_indices = @transform_5, window_bounds = array<i64: 512, 4096>}]} {
    %get3A = arith.constant 0 : index
    %get3A_0 = arith.constant 0 : index
    %get3A_1 = vector.load %arg3[%get3A, %get3A_0] : memref<512x4096xf32, #tpu.memory_space<vmem>>, vector<512x4096xf32>
    %convert_element_type3A = arith.truncf %get3A_1 : vector<512x4096xf32> to vector<512x4096xbf16>
    %swap3A = arith.constant 0 : index
    %swap3A_2 = arith.constant 0 : index
    %swap3A_3 = vector.load %arg6[%swap3A, %swap3A_2] : memref<512x4096xbf16, #tpu.memory_space<vmem>>, vector<512x4096xbf16>
    tpu.vector_store %arg6[%swap3A, %swap3A_2], %convert_element_type3A {strides = array<i32>} : memref<512x4096xbf16, #tpu.memory_space<vmem>>, vector<512x4096xbf16>,
    %get3A_4 = arith.constant 0 : index
    %get3A_5 = arith.constant 0 : index
    %get3A_6 = vector.load %arg1[%get3A_4, %get3A_5] : memref<4096x256xf32, #tpu.memory_space<vmem>>, vector<4096x256xf32>
    %convert_element_type3A_7 = arith.truncf %get3A_6 : vector<4096x256xf32> to vector<4096x256xbf16>
    %dot_general3A = arith.constant dense<0.000000e+00> : vector<512x256xf32>
    %dot_general3A_8 = tpu.matmul %convert_element_type3A, %convert_element_type3A_7, %dot_general3A {dimension_numbers = #tpu.dot_dimension_numbers<[1], [0], [0], [1], [0, 0, 1, 1], [], []>, transpose_lhs_hint = false} : vector<512x4096xbf16>, vector<4096x256xbf16>, vector<512x256xf32> -> vector<512x256xf32>
    %convert_element_type3A_9 = arith.truncf %dot_general3A_8 : vector<512x256xf32> to vector<512x256xbf16>
    %get3A_10 = arith.constant 0 : index
    %get3A_11 = arith.constant 0 : index
    %get3A_12 = vector.load %arg2[%get3A_10, %get3A_11] : memref<256x1xf32, #tpu.memory_space<vmem>>, vector<256x1xf32>
    %convert_element_type3A_13 = arith.truncf %get3A_12 : vector<256x1xf32> to vector<256x1xbf16>
    %dot_general3A_14 = arith.constant dense<0.000000e+00> : vector<512x1xf32>
    %dot_general3A_15 = tpu.matmul %convert_element_type3A_9, %convert_element_type3A_13, %dot_general3A_14 {dimension_numbers = #tpu.dot_dimension_numbers<[1], [0], [0], [1], [0, 0, 1, 1], [], []>, transpose_lhs_hint = false} : vector<512x256xbf16>, vector<256x1xbf16>, vector<512x1xf32> -> vector<512x1xf32>
    %get3A_16 = arith.constant 0 : index
    %get3A_17 = memref.load %arg4[%get3A_16] : memref<1xf32, #tpu.memory_space<smem>>
    %add3A = vector.broadcast %get3A_17 : f32 to vector<512x1xf32>
    %add3A_18 = arith.addf %dot_general3A_15, %add3A : vector<512x1xf32>
    %max3A = arith.constant 0.000000e+00 : f32
    %max3A_19 = vector.broadcast %max3A : f32 to vector<512x1xf32>
    %max3A_20 = arith.maximumf %add3A_18, %max3A_19 : vector<512x1xf32>
    %swap3A_21 = arith.constant 0 : index
    %swap3A_22 = arith.constant 0 : index
    %swap3A_23 = vector.load %arg5[%swap3A_21, %swap3A_22] : memref<512x1xf32, #tpu.memory_space<vmem>>, vector<512x1xf32>
    tpu.vector_store %arg5[%swap3A_21, %swap3A_22], %max3A_20 {strides = array<i32>} : memref<512x1xf32, #tpu.memory_space<vmem>>, vector<512x1xf32>,
    return
  }
  func.func @transform_0(%arg0: i32) -> (i32, i32) {
    %c0_i32 = arith.constant 0 : i32
    %c0_i32_0 = arith.constant 0 : i32
    %c0_i32_1 = arith.constant 0 : i32
    return %c0_i32, %c0_i32_0 : i32, i32
  }
  func.func @transform_1(%arg0: i32) -> (i32, i32) {
    %c0_i32 = arith.constant 0 : i32
    %c0_i32_0 = arith.constant 0 : i32
    %c0_i32_1 = arith.constant 0 : i32
    return %c0_i32, %c0_i32_0 : i32, i32
  }
  func.func @transform_2(%arg0: i32) -> (i32, i32) {
    %c0_i32 = arith.constant 0 : i32
    %c0_i32_0 = arith.constant 0 : i32
    return %arg0, %c0_i32 : i32, i32
  }
  func.func @transform_3(%arg0: i32) -> i32 {
    %c0_i32 = arith.constant 0 : i32
    %c0_i32_0 = arith.constant 0 : i32
    return %c0_i32 : i32
  }
  func.func @transform_4(%arg0: i32) -> (i32, i32) {
    %c0_i32 = arith.constant 0 : i32
    %c0_i32_0 = arith.constant 0 : i32
    return %arg0, %c0_i32 : i32, i32
  }
  func.func @transform_5(%arg0: i32) -> (i32, i32) {
    %c0_i32 = arith.constant 0 : i32
    %c0_i32_0 = arith.constant 0 : i32
    return %arg0, %c0_i32 : i32, i32
  }
}

module attributes {stable_mosaic.version = 14 : i64} {
  func.func @_k345_body(%arg0: i32, %arg1: memref<512x4096xbf16, #tpu.memory_space<vmem>>, %arg2: memref<4096x1xbf16, #tpu.memory_space<vmem>>, %arg3: memref<4096x1xf32, #tpu.memory_space<vmem>>, %arg4: memref<2xf32, #tpu.memory_space<smem>>, %arg5: memref<512x1xi32, #tpu.memory_space<vmem>>, %arg6: memref<512x1xf32, #tpu.memory_space<vmem>>, %arg7: memref<8x512xf32, #tpu.memory_space<vmem>>, %arg8: memref<8x512xf32, #tpu.memory_space<vmem>>) attributes {dimension_semantics = [#tpu.dimension_semantics<arbitrary>], iteration_bounds = array<i64: 17>, scalar_prefetch = 0 : i64, scratch_operands = 2 : i64, tpu.core_type = #tpu.core_type<tc>, window_params = [{transform_indices = @transform_0, window_bounds = array<i64: 512, 4096>}, {pipeline_mode = #tpu.pipeline_mode<synchronous>, transform_indices = @transform_1, window_bounds = array<i64: 4096, 1>}, {pipeline_mode = #tpu.pipeline_mode<synchronous>, transform_indices = @transform_2, window_bounds = array<i64: 4096, 1>}, {transform_indices = @transform_3, window_bounds = array<i64: 2>}, {pipeline_mode = #tpu.pipeline_mode<synchronous>, transform_indices = @transform_4, window_bounds = array<i64: 512, 1>}, {pipeline_mode = #tpu.pipeline_mode<synchronous>, transform_indices = @transform_5, window_bounds = array<i64: 512, 1>}]} {
    %iota3A = tpu.iota {dimensions = array<i32: 0>} : vector<512x512xi32>
    %iota3A_0 = tpu.iota {dimensions = array<i32: 1>} : vector<512x512xi32>
    %eq3A = arith.cmpi eq, %iota3A, %iota3A_0 : vector<512x512xi32>
    %convert_element_type3A = arith.extui %eq3A : vector<512x512xi1> to vector<512x512xi32>
    %convert_element_type3A_1 = arith.sitofp %convert_element_type3A : vector<512x512xi32> to vector<512x512xf32>
    %broadcast_in_dim3A = arith.constant 1.000000e+00 : f32
    %broadcast_in_dim3A_2 = vector.broadcast %broadcast_in_dim3A : f32 to vector<512x1xf32>
    %lt3A = arith.constant 8 : i32
    %lt3A_3 = arith.cmpi slt, %arg0, %lt3A : i32
    %convert_element_type3A_4 = arith.extui %lt3A_3 : i1 to i32
    %cond3A = arith.constant 0 : i32
    %cond3A_5 = arith.cmpi ne, %convert_element_type3A_4, %cond3A : i32
    scf.if %cond3A_5 {
      %get3A = arith.constant 0 : index
      %get3A_17 = arith.constant 0 : index
      %get3A_18 = vector.load %arg1[%get3A, %get3A_17] : memref<512x4096xbf16, #tpu.memory_space<vmem>>, vector<512x4096xbf16>
      %get3A_19 = arith.constant 0 : index
      %get3A_20 = arith.constant 0 : index
      %get3A_21 = vector.load %arg2[%get3A_19, %get3A_20] : memref<4096x1xbf16, #tpu.memory_space<vmem>>, vector<4096x1xbf16>
      %dot_general3A = arith.constant dense<0.000000e+00> : vector<512x1xf32>
      %dot_general3A_22 = tpu.matmul %get3A_18, %get3A_21, %dot_general3A {dimension_numbers = #tpu.dot_dimension_numbers<[1], [0], [0], [1], [0, 0, 1, 1], [], []>, transpose_lhs_hint = false} : vector<512x4096xbf16>, vector<4096x1xbf16>, vector<512x1xf32> -> vector<512x1xf32>
      %get3A_23 = arith.constant 0 : index
      %get3A_24 = memref.load %arg4[%get3A_23] : memref<2xf32, #tpu.memory_space<smem>>
      %mul3A = vector.broadcast %get3A_24 : f32 to vector<512x1xf32>
      %mul3A_25 = arith.mulf %dot_general3A_22, %mul3A : vector<512x1xf32>
      %get3A_26 = arith.constant 1 : index
      %get3A_27 = memref.load %arg4[%get3A_26] : memref<2xf32, #tpu.memory_space<smem>>
      %add3A = vector.broadcast %get3A_27 : f32 to vector<512x1xf32>
      %add3A_28 = arith.addf %mul3A_25, %add3A : vector<512x1xf32>
      %max3A = arith.constant 0.000000e+00 : f32
      %max3A_29 = vector.broadcast %max3A : f32 to vector<512x1xf32>
      %max3A_30 = arith.maximumf %add3A_28, %max3A_29 : vector<512x1xf32>
      %logistic3A = arith.negf %max3A_30 : vector<512x1xf32>
      %logistic3A_31 = math.exp %logistic3A : vector<512x1xf32>
      %logistic3A_32 = arith.constant 1.000000e+00 : f32
      %logistic3A_33 = vector.broadcast %logistic3A_32 : f32 to vector<512x1xf32>
      %logistic3A_34 = arith.addf %logistic3A_33, %logistic3A_31 : vector<512x1xf32>
      %logistic3A_35 = arith.divf %logistic3A_33, %logistic3A_34 : vector<512x1xf32>
      %dot_general3A_36 = arith.constant dense<0.000000e+00> : vector<1x512xf32>
      %dot_general3A_37 = tpu.matmul %logistic3A_35, %convert_element_type3A_1, %dot_general3A_36 {dimension_numbers = #tpu.dot_dimension_numbers<[0], [0], [1], [1], [0, 1, 1, 1], [], []>, precision = #tpu.contract_precision<fp32>, transpose_lhs_hint = false} : vector<512x1xf32>, vector<512x512xf32>, vector<1x512xf32> -> vector<1x512xf32>
      %swap3A = arith.index_cast %arg0 : i32 to index
      %swap3A_38 = arith.constant 0 : index
      %swap3A_39 = vector.load %arg7[%swap3A, %swap3A_38] : memref<8x512xf32, #tpu.memory_space<vmem>>, vector<1x512xf32>
      tpu.vector_store %arg7[%swap3A, %swap3A_38], %dot_general3A_37 {strides = array<i32>} : memref<8x512xf32, #tpu.memory_space<vmem>>, vector<1x512xf32>,
    } else {
    }
    %ge3A = arith.constant 8 : i32
    %ge3A_6 = arith.cmpi sge, %arg0, %ge3A : i32
    %lt3A_7 = arith.constant 16 : i32
    %lt3A_8 = arith.cmpi slt, %arg0, %lt3A_7 : i32
    %and3A = arith.andi %ge3A_6, %lt3A_8 : i1
    %convert_element_type3A_9 = arith.extui %and3A : i1 to i32
    %cond3A_10 = arith.constant 0 : i32
    %cond3A_11 = arith.cmpi ne, %convert_element_type3A_9, %cond3A_10 : i32
    scf.if %cond3A_11 {
      %sub3A = arith.constant 8 : i32
      %sub3A_17 = arith.subi %arg0, %sub3A : i32
      %get3A = arith.index_cast %sub3A_17 : i32 to index
      %get3A_18 = arith.constant 0 : index
      %get3A_19 = vector.load %arg7[%get3A, %get3A_18] : memref<8x512xf32, #tpu.memory_space<vmem>>, vector<1x512xf32>
      %dot_general3A = arith.constant dense<0.000000e+00> : vector<512x1xf32>
      %dot_general3A_20 = tpu.matmul %convert_element_type3A_1, %get3A_19, %dot_general3A {dimension_numbers = #tpu.dot_dimension_numbers<[1], [1], [0], [0], [0, 0, 1, 0], [], []>, precision = #tpu.contract_precision<fp32>, transpose_lhs_hint = false} : vector<512x512xf32>, vector<1x512xf32>, vector<512x1xf32> -> vector<512x1xf32>
      %broadcast_in_dim3A_21 = arith.constant 0.000000e+00 : f32
      %broadcast_in_dim3A_22 = vector.broadcast %broadcast_in_dim3A_21 : f32 to vector<512x1xf32>
      %get3A_23 = arith.constant 0 : index
      %get3A_24 = arith.constant 0 : index
      %get3A_25 = vector.load %arg7[%get3A_23, %get3A_24] : memref<8x512xf32, #tpu.memory_space<vmem>>, vector<1x512xf32>
      %iota3A_26 = tpu.iota {dimensions = array<i32: 0>} : vector<512x512xi32>
      %mul3A = arith.constant 512 : i32
      %mul3A_27 = arith.muli %sub3A_17, %mul3A : i32
      %add3A = vector.broadcast %mul3A_27 : i32 to vector<512x512xi32>
      %add3A_28 = arith.addi %iota3A_26, %add3A : vector<512x512xi32>
      %iota3A_29 = tpu.iota {dimensions = array<i32: 1>} : vector<512x512xi32>
      %add3A_30 = arith.constant 0 : i32
      %add3A_31 = vector.broadcast %add3A_30 : i32 to vector<512x512xi32>
      %add3A_32 = arith.addi %iota3A_29, %add3A_31 : vector<512x512xi32>
      %gt3A = vector.broadcast %get3A_25 : vector<1x512xf32> to vector<512x512xf32>
      %gt3A_33 = vector.broadcast %dot_general3A_20 : vector<512x1xf32> to vector<512x512xf32>
      %gt3A_34 = arith.cmpf ogt, %gt3A, %gt3A_33 : vector<512x512xf32>
      %convert_element_type3A_35 = arith.extui %gt3A_34 : vector<512x512xi1> to vector<512x512xi32>
      %convert_element_type3A_36 = arith.sitofp %convert_element_type3A_35 : vector<512x512xi32> to vector<512x512xf32>
      %eq3A_37 = vector.broadcast %get3A_25 : vector<1x512xf32> to vector<512x512xf32>
      %eq3A_38 = vector.broadcast %dot_general3A_20 : vector<512x1xf32> to vector<512x512xf32>
      %eq3A_39 = arith.cmpf oeq, %eq3A_37, %eq3A_38 : vector<512x512xf32>
      %lt3A_40 = arith.cmpi slt, %add3A_32, %add3A_28 : vector<512x512xi32>
      %and3A_41 = arith.andi %eq3A_39, %lt3A_40 : vector<512x512xi1>
      %convert_element_type3A_42 = arith.extui %and3A_41 : vector<512x512xi1> to vector<512x512xi32>
      %convert_element_type3A_43 = arith.sitofp %convert_element_type3A_42 : vector<512x512xi32> to vector<512x512xf32>
      %add3A_44 = arith.addf %convert_element_type3A_36, %convert_element_type3A_43 : vector<512x512xf32>
      %dot_general3A_45 = arith.constant dense<0.000000e+00> : vector<512x1xf32>
      %dot_general3A_46 = tpu.matmul %add3A_44, %broadcast_in_dim3A_2, %dot_general3A_45 {dimension_numbers = #tpu.dot_dimension_numbers<[1], [0], [0], [1], [0, 0, 1, 1], [], []>, transpose_lhs_hint = false} : vector<512x512xf32>, vector<512x1xf32>, vector<512x1xf32> -> vector<512x1xf32>
      %add3A_47 = arith.addf %broadcast_in_dim3A_22, %dot_general3A_46 : vector<512x1xf32>
      %get3A_48 = arith.constant 1 : index
      %get3A_49 = arith.constant 0 : index
      %get3A_50 = vector.load %arg7[%get3A_48, %get3A_49] : memref<8x512xf32, #tpu.memory_space<vmem>>, vector<1x512xf32>
      %iota3A_51 = tpu.iota {dimensions = array<i32: 0>} : vector<512x512xi32>
      %mul3A_52 = arith.constant 512 : i32
      %mul3A_53 = arith.muli %sub3A_17, %mul3A_52 : i32
      %add3A_54 = vector.broadcast %mul3A_53 : i32 to vector<512x512xi32>
      %add3A_55 = arith.addi %iota3A_51, %add3A_54 : vector<512x512xi32>
      %iota3A_56 = tpu.iota {dimensions = array<i32: 1>} : vector<512x512xi32>
      %add3A_57 = arith.constant 512 : i32
      %add3A_58 = vector.broadcast %add3A_57 : i32 to vector<512x512xi32>
      %add3A_59 = arith.addi %iota3A_56, %add3A_58 : vector<512x512xi32>
      %gt3A_60 = vector.broadcast %get3A_50 : vector<1x512xf32> to vector<512x512xf32>
      %gt3A_61 = vector.broadcast %dot_general3A_20 : vector<512x1xf32> to vector<512x512xf32>
      %gt3A_62 = arith.cmpf ogt, %gt3A_60, %gt3A_61 : vector<512x512xf32>
      %convert_element_type3A_63 = arith.extui %gt3A_62 : vector<512x512xi1> to vector<512x512xi32>
      %convert_element_type3A_64 = arith.sitofp %convert_element_type3A_63 : vector<512x512xi32> to vector<512x512xf32>
      %eq3A_65 = vector.broadcast %get3A_50 : vector<1x512xf32> to vector<512x512xf32>
      %eq3A_66 = vector.broadcast %dot_general3A_20 : vector<512x1xf32> to vector<512x512xf32>
      %eq3A_67 = arith.cmpf oeq, %eq3A_65, %eq3A_66 : vector<512x512xf32>
      %lt3A_68 = arith.cmpi slt, %add3A_59, %add3A_55 : vector<512x512xi32>
      %and3A_69 = arith.andi %eq3A_67, %lt3A_68 : vector<512x512xi1>
      %convert_element_type3A_70 = arith.extui %and3A_69 : vector<512x512xi1> to vector<512x512xi32>
      %convert_element_type3A_71 = arith.sitofp %convert_element_type3A_70 : vector<512x512xi32> to vector<512x512xf32>
      %add3A_72 = arith.addf %convert_element_type3A_64, %convert_element_type3A_71 : vector<512x512xf32>
      %dot_general3A_73 = arith.constant dense<0.000000e+00> : vector<512x1xf32>
      %dot_general3A_74 = tpu.matmul %add3A_72, %broadcast_in_dim3A_2, %dot_general3A_73 {dimension_numbers = #tpu.dot_dimension_numbers<[1], [0], [0], [1], [0, 0, 1, 1], [], []>, transpose_lhs_hint = false} : vector<512x512xf32>, vector<512x1xf32>, vector<512x1xf32> -> vector<512x1xf32>
      %add3A_75 = arith.addf %add3A_47, %dot_general3A_74 : vector<512x1xf32>
      %get3A_76 = arith.constant 2 : index
      %get3A_77 = arith.constant 0 : index
      %get3A_78 = vector.load %arg7[%get3A_76, %get3A_77] : memref<8x512xf32, #tpu.memory_space<vmem>>, vector<1x512xf32>
      %iota3A_79 = tpu.iota {dimensions = array<i32: 0>} : vector<512x512xi32>
      %mul3A_80 = arith.constant 512 : i32
      %mul3A_81 = arith.muli %sub3A_17, %mul3A_80 : i32
      %add3A_82 = vector.broadcast %mul3A_81 : i32 to vector<512x512xi32>
      %add3A_83 = arith.addi %iota3A_79, %add3A_82 : vector<512x512xi32>
      %iota3A_84 = tpu.iota {dimensions = array<i32: 1>} : vector<512x512xi32>
      %add3A_85 = arith.constant 1024 : i32
      %add3A_86 = vector.broadcast %add3A_85 : i32 to vector<512x512xi32>
      %add3A_87 = arith.addi %iota3A_84, %add3A_86 : vector<512x512xi32>
      %gt3A_88 = vector.broadcast %get3A_78 : vector<1x512xf32> to vector<512x512xf32>
      %gt3A_89 = vector.broadcast %dot_general3A_20 : vector<512x1xf32> to vector<512x512xf32>
      %gt3A_90 = arith.cmpf ogt, %gt3A_88, %gt3A_89 : vector<512x512xf32>
      %convert_element_type3A_91 = arith.extui %gt3A_90 : vector<512x512xi1> to vector<512x512xi32>
      %convert_element_type3A_92 = arith.sitofp %convert_element_type3A_91 : vector<512x512xi32> to vector<512x512xf32>
      %eq3A_93 = vector.broadcast %get3A_78 : vector<1x512xf32> to vector<512x512xf32>
      %eq3A_94 = vector.broadcast %dot_general3A_20 : vector<512x1xf32> to vector<512x512xf32>
      %eq3A_95 = arith.cmpf oeq, %eq3A_93, %eq3A_94 : vector<512x512xf32>
      %lt3A_96 = arith.cmpi slt, %add3A_87, %add3A_83 : vector<512x512xi32>
      %and3A_97 = arith.andi %eq3A_95, %lt3A_96 : vector<512x512xi1>
      %convert_element_type3A_98 = arith.extui %and3A_97 : vector<512x512xi1> to vector<512x512xi32>
      %convert_element_type3A_99 = arith.sitofp %convert_element_type3A_98 : vector<512x512xi32> to vector<512x512xf32>
      %add3A_100 = arith.addf %convert_element_type3A_92, %convert_element_type3A_99 : vector<512x512xf32>
      %dot_general3A_101 = arith.constant dense<0.000000e+00> : vector<512x1xf32>
      %dot_general3A_102 = tpu.matmul %add3A_100, %broadcast_in_dim3A_2, %dot_general3A_101 {dimension_numbers = #tpu.dot_dimension_numbers<[1], [0], [0], [1], [0, 0, 1, 1], [], []>, transpose_lhs_hint = false} : vector<512x512xf32>, vector<512x1xf32>, vector<512x1xf32> -> vector<512x1xf32>
      %add3A_103 = arith.addf %add3A_75, %dot_general3A_102 : vector<512x1xf32>
      %get3A_104 = arith.constant 3 : index
      %get3A_105 = arith.constant 0 : index
      %get3A_106 = vector.load %arg7[%get3A_104, %get3A_105] : memref<8x512xf32, #tpu.memory_space<vmem>>, vector<1x512xf32>
      %iota3A_107 = tpu.iota {dimensions = array<i32: 0>} : vector<512x512xi32>
      %mul3A_108 = arith.constant 512 : i32
      %mul3A_109 = arith.muli %sub3A_17, %mul3A_108 : i32
      %add3A_110 = vector.broadcast %mul3A_109 : i32 to vector<512x512xi32>
      %add3A_111 = arith.addi %iota3A_107, %add3A_110 : vector<512x512xi32>
      %iota3A_112 = tpu.iota {dimensions = array<i32: 1>} : vector<512x512xi32>
      %add3A_113 = arith.constant 1536 : i32
      %add3A_114 = vector.broadcast %add3A_113 : i32 to vector<512x512xi32>
      %add3A_115 = arith.addi %iota3A_112, %add3A_114 : vector<512x512xi32>
      %gt3A_116 = vector.broadcast %get3A_106 : vector<1x512xf32> to vector<512x512xf32>
      %gt3A_117 = vector.broadcast %dot_general3A_20 : vector<512x1xf32> to vector<512x512xf32>
      %gt3A_118 = arith.cmpf ogt, %gt3A_116, %gt3A_117 : vector<512x512xf32>
      %convert_element_type3A_119 = arith.extui %gt3A_118 : vector<512x512xi1> to vector<512x512xi32>
      %convert_element_type3A_120 = arith.sitofp %convert_element_type3A_119 : vector<512x512xi32> to vector<512x512xf32>
      %eq3A_121 = vector.broadcast %get3A_106 : vector<1x512xf32> to vector<512x512xf32>
      %eq3A_122 = vector.broadcast %dot_general3A_20 : vector<512x1xf32> to vector<512x512xf32>
      %eq3A_123 = arith.cmpf oeq, %eq3A_121, %eq3A_122 : vector<512x512xf32>
      %lt3A_124 = arith.cmpi slt, %add3A_115, %add3A_111 : vector<512x512xi32>
      %and3A_125 = arith.andi %eq3A_123, %lt3A_124 : vector<512x512xi1>
      %convert_element_type3A_126 = arith.extui %and3A_125 : vector<512x512xi1> to vector<512x512xi32>
      %convert_element_type3A_127 = arith.sitofp %convert_element_type3A_126 : vector<512x512xi32> to vector<512x512xf32>
      %add3A_128 = arith.addf %convert_element_type3A_120, %convert_element_type3A_127 : vector<512x512xf32>
      %dot_general3A_129 = arith.constant dense<0.000000e+00> : vector<512x1xf32>
      %dot_general3A_130 = tpu.matmul %add3A_128, %broadcast_in_dim3A_2, %dot_general3A_129 {dimension_numbers = #tpu.dot_dimension_numbers<[1], [0], [0], [1], [0, 0, 1, 1], [], []>, transpose_lhs_hint = false} : vector<512x512xf32>, vector<512x1xf32>, vector<512x1xf32> -> vector<512x1xf32>
      %add3A_131 = arith.addf %add3A_103, %dot_general3A_130 : vector<512x1xf32>
      %get3A_132 = arith.constant 4 : index
      %get3A_133 = arith.constant 0 : index
      %get3A_134 = vector.load %arg7[%get3A_132, %get3A_133] : memref<8x512xf32, #tpu.memory_space<vmem>>, vector<1x512xf32>
      %iota3A_135 = tpu.iota {dimensions = array<i32: 0>} : vector<512x512xi32>
      %mul3A_136 = arith.constant 512 : i32
      %mul3A_137 = arith.muli %sub3A_17, %mul3A_136 : i32
      %add3A_138 = vector.broadcast %mul3A_137 : i32 to vector<512x512xi32>
      %add3A_139 = arith.addi %iota3A_135, %add3A_138 : vector<512x512xi32>
      %iota3A_140 = tpu.iota {dimensions = array<i32: 1>} : vector<512x512xi32>
      %add3A_141 = arith.constant 2048 : i32
      %add3A_142 = vector.broadcast %add3A_141 : i32 to vector<512x512xi32>
      %add3A_143 = arith.addi %iota3A_140, %add3A_142 : vector<512x512xi32>
      %gt3A_144 = vector.broadcast %get3A_134 : vector<1x512xf32> to vector<512x512xf32>
      %gt3A_145 = vector.broadcast %dot_general3A_20 : vector<512x1xf32> to vector<512x512xf32>
      %gt3A_146 = arith.cmpf ogt, %gt3A_144, %gt3A_145 : vector<512x512xf32>
      %convert_element_type3A_147 = arith.extui %gt3A_146 : vector<512x512xi1> to vector<512x512xi32>
      %convert_element_type3A_148 = arith.sitofp %convert_element_type3A_147 : vector<512x512xi32> to vector<512x512xf32>
      %eq3A_149 = vector.broadcast %get3A_134 : vector<1x512xf32> to vector<512x512xf32>
      %eq3A_150 = vector.broadcast %dot_general3A_20 : vector<512x1xf32> to vector<512x512xf32>
      %eq3A_151 = arith.cmpf oeq, %eq3A_149, %eq3A_150 : vector<512x512xf32>
      %lt3A_152 = arith.cmpi slt, %add3A_143, %add3A_139 : vector<512x512xi32>
      %and3A_153 = arith.andi %eq3A_151, %lt3A_152 : vector<512x512xi1>
      %convert_element_type3A_154 = arith.extui %and3A_153 : vector<512x512xi1> to vector<512x512xi32>
      %convert_element_type3A_155 = arith.sitofp %convert_element_type3A_154 : vector<512x512xi32> to vector<512x512xf32>
      %add3A_156 = arith.addf %convert_element_type3A_148, %convert_element_type3A_155 : vector<512x512xf32>
      %dot_general3A_157 = arith.constant dense<0.000000e+00> : vector<512x1xf32>
      %dot_general3A_158 = tpu.matmul %add3A_156, %broadcast_in_dim3A_2, %dot_general3A_157 {dimension_numbers = #tpu.dot_dimension_numbers<[1], [0], [0], [1], [0, 0, 1, 1], [], []>, transpose_lhs_hint = false} : vector<512x512xf32>, vector<512x1xf32>, vector<512x1xf32> -> vector<512x1xf32>
      %add3A_159 = arith.addf %add3A_131, %dot_general3A_158 : vector<512x1xf32>
      %get3A_160 = arith.constant 5 : index
      %get3A_161 = arith.constant 0 : index
      %get3A_162 = vector.load %arg7[%get3A_160, %get3A_161] : memref<8x512xf32, #tpu.memory_space<vmem>>, vector<1x512xf32>
      %iota3A_163 = tpu.iota {dimensions = array<i32: 0>} : vector<512x512xi32>
      %mul3A_164 = arith.constant 512 : i32
      %mul3A_165 = arith.muli %sub3A_17, %mul3A_164 : i32
      %add3A_166 = vector.broadcast %mul3A_165 : i32 to vector<512x512xi32>
      %add3A_167 = arith.addi %iota3A_163, %add3A_166 : vector<512x512xi32>
      %iota3A_168 = tpu.iota {dimensions = array<i32: 1>} : vector<512x512xi32>
      %add3A_169 = arith.constant 2560 : i32
      %add3A_170 = vector.broadcast %add3A_169 : i32 to vector<512x512xi32>
      %add3A_171 = arith.addi %iota3A_168, %add3A_170 : vector<512x512xi32>
      %gt3A_172 = vector.broadcast %get3A_162 : vector<1x512xf32> to vector<512x512xf32>
      %gt3A_173 = vector.broadcast %dot_general3A_20 : vector<512x1xf32> to vector<512x512xf32>
      %gt3A_174 = arith.cmpf ogt, %gt3A_172, %gt3A_173 : vector<512x512xf32>
      %convert_element_type3A_175 = arith.extui %gt3A_174 : vector<512x512xi1> to vector<512x512xi32>
      %convert_element_type3A_176 = arith.sitofp %convert_element_type3A_175 : vector<512x512xi32> to vector<512x512xf32>
      %eq3A_177 = vector.broadcast %get3A_162 : vector<1x512xf32> to vector<512x512xf32>
      %eq3A_178 = vector.broadcast %dot_general3A_20 : vector<512x1xf32> to vector<512x512xf32>
      %eq3A_179 = arith.cmpf oeq, %eq3A_177, %eq3A_178 : vector<512x512xf32>
      %lt3A_180 = arith.cmpi slt, %add3A_171, %add3A_167 : vector<512x512xi32>
      %and3A_181 = arith.andi %eq3A_179, %lt3A_180 : vector<512x512xi1>
      %convert_element_type3A_182 = arith.extui %and3A_181 : vector<512x512xi1> to vector<512x512xi32>
      %convert_element_type3A_183 = arith.sitofp %convert_element_type3A_182 : vector<512x512xi32> to vector<512x512xf32>
      %add3A_184 = arith.addf %convert_element_type3A_176, %convert_element_type3A_183 : vector<512x512xf32>
      %dot_general3A_185 = arith.constant dense<0.000000e+00> : vector<512x1xf32>
      %dot_general3A_186 = tpu.matmul %add3A_184, %broadcast_in_dim3A_2, %dot_general3A_185 {dimension_numbers = #tpu.dot_dimension_numbers<[1], [0], [0], [1], [0, 0, 1, 1], [], []>, transpose_lhs_hint = false} : vector<512x512xf32>, vector<512x1xf32>, vector<512x1xf32> -> vector<512x1xf32>
      %add3A_187 = arith.addf %add3A_159, %dot_general3A_186 : vector<512x1xf32>
      %get3A_188 = arith.constant 6 : index
      %get3A_189 = arith.constant 0 : index
      %get3A_190 = vector.load %arg7[%get3A_188, %get3A_189] : memref<8x512xf32, #tpu.memory_space<vmem>>, vector<1x512xf32>
      %iota3A_191 = tpu.iota {dimensions = array<i32: 0>} : vector<512x512xi32>
      %mul3A_192 = arith.constant 512 : i32
      %mul3A_193 = arith.muli %sub3A_17, %mul3A_192 : i32
      %add3A_194 = vector.broadcast %mul3A_193 : i32 to vector<512x512xi32>
      %add3A_195 = arith.addi %iota3A_191, %add3A_194 : vector<512x512xi32>
      %iota3A_196 = tpu.iota {dimensions = array<i32: 1>} : vector<512x512xi32>
      %add3A_197 = arith.constant 3072 : i32
      %add3A_198 = vector.broadcast %add3A_197 : i32 to vector<512x512xi32>
      %add3A_199 = arith.addi %iota3A_196, %add3A_198 : vector<512x512xi32>
      %gt3A_200 = vector.broadcast %get3A_190 : vector<1x512xf32> to vector<512x512xf32>
      %gt3A_201 = vector.broadcast %dot_general3A_20 : vector<512x1xf32> to vector<512x512xf32>
      %gt3A_202 = arith.cmpf ogt, %gt3A_200, %gt3A_201 : vector<512x512xf32>
      %convert_element_type3A_203 = arith.extui %gt3A_202 : vector<512x512xi1> to vector<512x512xi32>
      %convert_element_type3A_204 = arith.sitofp %convert_element_type3A_203 : vector<512x512xi32> to vector<512x512xf32>
      %eq3A_205 = vector.broadcast %get3A_190 : vector<1x512xf32> to vector<512x512xf32>
      %eq3A_206 = vector.broadcast %dot_general3A_20 : vector<512x1xf32> to vector<512x512xf32>
      %eq3A_207 = arith.cmpf oeq, %eq3A_205, %eq3A_206 : vector<512x512xf32>
      %lt3A_208 = arith.cmpi slt, %add3A_199, %add3A_195 : vector<512x512xi32>
      %and3A_209 = arith.andi %eq3A_207, %lt3A_208 : vector<512x512xi1>
      %convert_element_type3A_210 = arith.extui %and3A_209 : vector<512x512xi1> to vector<512x512xi32>
      %convert_element_type3A_211 = arith.sitofp %convert_element_type3A_210 : vector<512x512xi32> to vector<512x512xf32>
      %add3A_212 = arith.addf %convert_element_type3A_204, %convert_element_type3A_211 : vector<512x512xf32>
      %dot_general3A_213 = arith.constant dense<0.000000e+00> : vector<512x1xf32>
      %dot_general3A_214 = tpu.matmul %add3A_212, %broadcast_in_dim3A_2, %dot_general3A_213 {dimension_numbers = #tpu.dot_dimension_numbers<[1], [0], [0], [1], [0, 0, 1, 1], [], []>, transpose_lhs_hint = false} : vector<512x512xf32>, vector<512x1xf32>, vector<512x1xf32> -> vector<512x1xf32>
      %add3A_215 = arith.addf %add3A_187, %dot_general3A_214 : vector<512x1xf32>
      %get3A_216 = arith.constant 7 : index
      %get3A_217 = arith.constant 0 : index
      %get3A_218 = vector.load %arg7[%get3A_216, %get3A_217] : memref<8x512xf32, #tpu.memory_space<vmem>>, vector<1x512xf32>
      %iota3A_219 = tpu.iota {dimensions = array<i32: 0>} : vector<512x512xi32>
      %mul3A_220 = arith.constant 512 : i32
      %mul3A_221 = arith.muli %sub3A_17, %mul3A_220 : i32
      %add3A_222 = vector.broadcast %mul3A_221 : i32 to vector<512x512xi32>
      %add3A_223 = arith.addi %iota3A_219, %add3A_222 : vector<512x512xi32>
      %iota3A_224 = tpu.iota {dimensions = array<i32: 1>} : vector<512x512xi32>
      %add3A_225 = arith.constant 3584 : i32
      %add3A_226 = vector.broadcast %add3A_225 : i32 to vector<512x512xi32>
      %add3A_227 = arith.addi %iota3A_224, %add3A_226 : vector<512x512xi32>
      %gt3A_228 = vector.broadcast %get3A_218 : vector<1x512xf32> to vector<512x512xf32>
      %gt3A_229 = vector.broadcast %dot_general3A_20 : vector<512x1xf32> to vector<512x512xf32>
      %gt3A_230 = arith.cmpf ogt, %gt3A_228, %gt3A_229 : vector<512x512xf32>
      %convert_element_type3A_231 = arith.extui %gt3A_230 : vector<512x512xi1> to vector<512x512xi32>
      %convert_element_type3A_232 = arith.sitofp %convert_element_type3A_231 : vector<512x512xi32> to vector<512x512xf32>
      %eq3A_233 = vector.broadcast %get3A_218 : vector<1x512xf32> to vector<512x512xf32>
      %eq3A_234 = vector.broadcast %dot_general3A_20 : vector<512x1xf32> to vector<512x512xf32>
      %eq3A_235 = arith.cmpf oeq, %eq3A_233, %eq3A_234 : vector<512x512xf32>
      %lt3A_236 = arith.cmpi slt, %add3A_227, %add3A_223 : vector<512x512xi32>
      %and3A_237 = arith.andi %eq3A_235, %lt3A_236 : vector<512x512xi1>
      %convert_element_type3A_238 = arith.extui %and3A_237 : vector<512x512xi1> to vector<512x512xi32>
      %convert_element_type3A_239 = arith.sitofp %convert_element_type3A_238 : vector<512x512xi32> to vector<512x512xf32>
      %add3A_240 = arith.addf %convert_element_type3A_232, %convert_element_type3A_239 : vector<512x512xf32>
      %dot_general3A_241 = arith.constant dense<0.000000e+00> : vector<512x1xf32>
      %dot_general3A_242 = tpu.matmul %add3A_240, %broadcast_in_dim3A_2, %dot_general3A_241 {dimension_numbers = #tpu.dot_dimension_numbers<[1], [0], [0], [1], [0, 0, 1, 1], [], []>, transpose_lhs_hint = false} : vector<512x512xf32>, vector<512x1xf32>, vector<512x1xf32> -> vector<512x1xf32>
      %add3A_243 = arith.addf %add3A_215, %dot_general3A_242 : vector<512x1xf32>
      %dot_general3A_244 = arith.constant dense<0.000000e+00> : vector<1x512xf32>
      %dot_general3A_245 = tpu.matmul %add3A_243, %convert_element_type3A_1, %dot_general3A_244 {dimension_numbers = #tpu.dot_dimension_numbers<[0], [0], [1], [1], [0, 1, 1, 1], [], []>, precision = #tpu.contract_precision<fp32>, transpose_lhs_hint = false} : vector<512x1xf32>, vector<512x512xf32>, vector<1x512xf32> -> vector<1x512xf32>
      %swap3A = arith.index_cast %sub3A_17 : i32 to index
      %swap3A_246 = arith.constant 0 : index
      %swap3A_247 = vector.load %arg8[%swap3A, %swap3A_246] : memref<8x512xf32, #tpu.memory_space<vmem>>, vector<1x512xf32>
      tpu.vector_store %arg8[%swap3A, %swap3A_246], %dot_general3A_245 {strides = array<i32>} : memref<8x512xf32, #tpu.memory_space<vmem>>, vector<1x512xf32>,
    } else {
    }
    %eq3A_12 = arith.constant 16 : i32
    %eq3A_13 = arith.cmpi eq, %arg0, %eq3A_12 : i32
    %convert_element_type3A_14 = arith.extui %eq3A_13 : i1 to i32
    %cond3A_15 = arith.constant 0 : i32
    %cond3A_16 = arith.cmpi ne, %convert_element_type3A_14, %cond3A_15 : i32
    scf.if %cond3A_16 {
      %iota3A_17 = tpu.iota {dimensions = array<i32: 0>} : vector<512x1xi32>
      %convert_element_type3A_18 = arith.sitofp %iota3A_17 : vector<512x1xi32> to vector<512x1xf32>
      %broadcast_in_dim3A_19 = arith.constant 0.000000e+00 : f32
      %broadcast_in_dim3A_20 = vector.broadcast %broadcast_in_dim3A_19 : f32 to vector<512x3xf32>
      %get3A = arith.constant 0 : index
      %get3A_21 = arith.constant 0 : index
      %get3A_22 = vector.load %arg8[%get3A, %get3A_21] : memref<8x512xf32, #tpu.memory_space<vmem>>, vector<1x512xf32>
      %eq3A_23 = vector.broadcast %get3A_22 : vector<1x512xf32> to vector<512x512xf32>
      %eq3A_24 = vector.broadcast %convert_element_type3A_18 : vector<512x1xf32> to vector<512x512xf32>
      %eq3A_25 = arith.cmpf oeq, %eq3A_23, %eq3A_24 : vector<512x512xf32>
      %convert_element_type3A_26 = arith.extui %eq3A_25 : vector<512x512xi1> to vector<512x512xi32>
      %convert_element_type3A_27 = arith.sitofp %convert_element_type3A_26 : vector<512x512xi32> to vector<512x512xf32>
      %get3A_28 = arith.constant 0 : index
      %get3A_29 = arith.constant 0 : index
      %get3A_30 = vector.load %arg7[%get3A_28, %get3A_29] : memref<8x512xf32, #tpu.memory_space<vmem>>, vector<1x512xf32>
      %dot_general3A = arith.constant dense<0.000000e+00> : vector<512x1xf32>
      %dot_general3A_31 = tpu.matmul %convert_element_type3A_1, %get3A_30, %dot_general3A {dimension_numbers = #tpu.dot_dimension_numbers<[1], [1], [0], [0], [0, 0, 1, 0], [], []>, precision = #tpu.contract_precision<fp32>, transpose_lhs_hint = false} : vector<512x512xf32>, vector<1x512xf32>, vector<512x1xf32> -> vector<512x1xf32>
      %iota3A_32 = tpu.iota {dimensions = array<i32: 0>} : vector<512x1xi32>
      %add3A = arith.constant 0 : i32
      %add3A_33 = vector.broadcast %add3A : i32 to vector<512x1xi32>
      %add3A_34 = arith.addi %iota3A_32, %add3A_33 : vector<512x1xi32>
      %convert_element_type3A_35 = arith.sitofp %add3A_34 : vector<512x1xi32> to vector<512x1xf32>
      %get3A_36 = arith.constant 0 : index
      %get3A_37 = arith.constant 0 : index
      %get3A_38 = vector.load %arg3[%get3A_36, %get3A_37] : memref<4096x1xf32, #tpu.memory_space<vmem>>, vector<512x1xf32>
      %concatenate3A = tpu.concatenate %convert_element_type3A_35, %dot_general3A_31, %get3A_38 in 1 : vector<512x1xf32>, vector<512x1xf32>, vector<512x1xf32> -> vector<512x3xf32>
      %dot_general3A_39 = arith.constant dense<0.000000e+00> : vector<512x3xf32>
      %dot_general3A_40 = tpu.matmul %convert_element_type3A_27, %concatenate3A, %dot_general3A_39 {dimension_numbers = #tpu.dot_dimension_numbers<[1], [0], [0], [1], [0, 0, 1, 1], [], []>, precision = #tpu.contract_precision<fp32>, transpose_lhs_hint = false} : vector<512x512xf32>, vector<512x3xf32>, vector<512x3xf32> -> vector<512x3xf32>
      %add3A_41 = arith.addf %broadcast_in_dim3A_20, %dot_general3A_40 : vector<512x3xf32>
      %get3A_42 = arith.constant 1 : index
      %get3A_43 = arith.constant 0 : index
      %get3A_44 = vector.load %arg8[%get3A_42, %get3A_43] : memref<8x512xf32, #tpu.memory_space<vmem>>, vector<1x512xf32>
      %eq3A_45 = vector.broadcast %get3A_44 : vector<1x512xf32> to vector<512x512xf32>
      %eq3A_46 = vector.broadcast %convert_element_type3A_18 : vector<512x1xf32> to vector<512x512xf32>
      %eq3A_47 = arith.cmpf oeq, %eq3A_45, %eq3A_46 : vector<512x512xf32>
      %convert_element_type3A_48 = arith.extui %eq3A_47 : vector<512x512xi1> to vector<512x512xi32>
      %convert_element_type3A_49 = arith.sitofp %convert_element_type3A_48 : vector<512x512xi32> to vector<512x512xf32>
      %get3A_50 = arith.constant 1 : index
      %get3A_51 = arith.constant 0 : index
      %get3A_52 = vector.load %arg7[%get3A_50, %get3A_51] : memref<8x512xf32, #tpu.memory_space<vmem>>, vector<1x512xf32>
      %dot_general3A_53 = arith.constant dense<0.000000e+00> : vector<512x1xf32>
      %dot_general3A_54 = tpu.matmul %convert_element_type3A_1, %get3A_52, %dot_general3A_53 {dimension_numbers = #tpu.dot_dimension_numbers<[1], [1], [0], [0], [0, 0, 1, 0], [], []>, precision = #tpu.contract_precision<fp32>, transpose_lhs_hint = false} : vector<512x512xf32>, vector<1x512xf32>, vector<512x1xf32> -> vector<512x1xf32>
      %iota3A_55 = tpu.iota {dimensions = array<i32: 0>} : vector<512x1xi32>
      %add3A_56 = arith.constant 512 : i32
      %add3A_57 = vector.broadcast %add3A_56 : i32 to vector<512x1xi32>
      %add3A_58 = arith.addi %iota3A_55, %add3A_57 : vector<512x1xi32>
      %convert_element_type3A_59 = arith.sitofp %add3A_58 : vector<512x1xi32> to vector<512x1xf32>
      %get3A_60 = arith.constant 512 : index
      %get3A_61 = arith.constant 0 : index
      %get3A_62 = vector.load %arg3[%get3A_60, %get3A_61] : memref<4096x1xf32, #tpu.memory_space<vmem>>, vector<512x1xf32>
      %concatenate3A_63 = tpu.concatenate %convert_element_type3A_59, %dot_general3A_54, %get3A_62 in 1 : vector<512x1xf32>, vector<512x1xf32>, vector<512x1xf32> -> vector<512x3xf32>
      %dot_general3A_64 = arith.constant dense<0.000000e+00> : vector<512x3xf32>
      %dot_general3A_65 = tpu.matmul %convert_element_type3A_49, %concatenate3A_63, %dot_general3A_64 {dimension_numbers = #tpu.dot_dimension_numbers<[1], [0], [0], [1], [0, 0, 1, 1], [], []>, precision = #tpu.contract_precision<fp32>, transpose_lhs_hint = false} : vector<512x512xf32>, vector<512x3xf32>, vector<512x3xf32> -> vector<512x3xf32>
      %add3A_66 = arith.addf %add3A_41, %dot_general3A_65 : vector<512x3xf32>
      %get3A_67 = arith.constant 2 : index
      %get3A_68 = arith.constant 0 : index
      %get3A_69 = vector.load %arg8[%get3A_67, %get3A_68] : memref<8x512xf32, #tpu.memory_space<vmem>>, vector<1x512xf32>
      %eq3A_70 = vector.broadcast %get3A_69 : vector<1x512xf32> to vector<512x512xf32>
      %eq3A_71 = vector.broadcast %convert_element_type3A_18 : vector<512x1xf32> to vector<512x512xf32>
      %eq3A_72 = arith.cmpf oeq, %eq3A_70, %eq3A_71 : vector<512x512xf32>
      %convert_element_type3A_73 = arith.extui %eq3A_72 : vector<512x512xi1> to vector<512x512xi32>
      %convert_element_type3A_74 = arith.sitofp %convert_element_type3A_73 : vector<512x512xi32> to vector<512x512xf32>
      %get3A_75 = arith.constant 2 : index
      %get3A_76 = arith.constant 0 : index
      %get3A_77 = vector.load %arg7[%get3A_75, %get3A_76] : memref<8x512xf32, #tpu.memory_space<vmem>>, vector<1x512xf32>
      %dot_general3A_78 = arith.constant dense<0.000000e+00> : vector<512x1xf32>
      %dot_general3A_79 = tpu.matmul %convert_element_type3A_1, %get3A_77, %dot_general3A_78 {dimension_numbers = #tpu.dot_dimension_numbers<[1], [1], [0], [0], [0, 0, 1, 0], [], []>, precision = #tpu.contract_precision<fp32>, transpose_lhs_hint = false} : vector<512x512xf32>, vector<1x512xf32>, vector<512x1xf32> -> vector<512x1xf32>
      %iota3A_80 = tpu.iota {dimensions = array<i32: 0>} : vector<512x1xi32>
      %add3A_81 = arith.constant 1024 : i32
      %add3A_82 = vector.broadcast %add3A_81 : i32 to vector<512x1xi32>
      %add3A_83 = arith.addi %iota3A_80, %add3A_82 : vector<512x1xi32>
      %convert_element_type3A_84 = arith.sitofp %add3A_83 : vector<512x1xi32> to vector<512x1xf32>
      %get3A_85 = arith.constant 1024 : index
      %get3A_86 = arith.constant 0 : index
      %get3A_87 = vector.load %arg3[%get3A_85, %get3A_86] : memref<4096x1xf32, #tpu.memory_space<vmem>>, vector<512x1xf32>
      %concatenate3A_88 = tpu.concatenate %convert_element_type3A_84, %dot_general3A_79, %get3A_87 in 1 : vector<512x1xf32>, vector<512x1xf32>, vector<512x1xf32> -> vector<512x3xf32>
      %dot_general3A_89 = arith.constant dense<0.000000e+00> : vector<512x3xf32>
      %dot_general3A_90 = tpu.matmul %convert_element_type3A_74, %concatenate3A_88, %dot_general3A_89 {dimension_numbers = #tpu.dot_dimension_numbers<[1], [0], [0], [1], [0, 0, 1, 1], [], []>, precision = #tpu.contract_precision<fp32>, transpose_lhs_hint = false} : vector<512x512xf32>, vector<512x3xf32>, vector<512x3xf32> -> vector<512x3xf32>
      %add3A_91 = arith.addf %add3A_66, %dot_general3A_90 : vector<512x3xf32>
      %get3A_92 = arith.constant 3 : index
      %get3A_93 = arith.constant 0 : index
      %get3A_94 = vector.load %arg8[%get3A_92, %get3A_93] : memref<8x512xf32, #tpu.memory_space<vmem>>, vector<1x512xf32>
      %eq3A_95 = vector.broadcast %get3A_94 : vector<1x512xf32> to vector<512x512xf32>
      %eq3A_96 = vector.broadcast %convert_element_type3A_18 : vector<512x1xf32> to vector<512x512xf32>
      %eq3A_97 = arith.cmpf oeq, %eq3A_95, %eq3A_96 : vector<512x512xf32>
      %convert_element_type3A_98 = arith.extui %eq3A_97 : vector<512x512xi1> to vector<512x512xi32>
      %convert_element_type3A_99 = arith.sitofp %convert_element_type3A_98 : vector<512x512xi32> to vector<512x512xf32>
      %get3A_100 = arith.constant 3 : index
      %get3A_101 = arith.constant 0 : index
      %get3A_102 = vector.load %arg7[%get3A_100, %get3A_101] : memref<8x512xf32, #tpu.memory_space<vmem>>, vector<1x512xf32>
      %dot_general3A_103 = arith.constant dense<0.000000e+00> : vector<512x1xf32>
      %dot_general3A_104 = tpu.matmul %convert_element_type3A_1, %get3A_102, %dot_general3A_103 {dimension_numbers = #tpu.dot_dimension_numbers<[1], [1], [0], [0], [0, 0, 1, 0], [], []>, precision = #tpu.contract_precision<fp32>, transpose_lhs_hint = false} : vector<512x512xf32>, vector<1x512xf32>, vector<512x1xf32> -> vector<512x1xf32>
      %iota3A_105 = tpu.iota {dimensions = array<i32: 0>} : vector<512x1xi32>
      %add3A_106 = arith.constant 1536 : i32
      %add3A_107 = vector.broadcast %add3A_106 : i32 to vector<512x1xi32>
      %add3A_108 = arith.addi %iota3A_105, %add3A_107 : vector<512x1xi32>
      %convert_element_type3A_109 = arith.sitofp %add3A_108 : vector<512x1xi32> to vector<512x1xf32>
      %get3A_110 = arith.constant 1536 : index
      %get3A_111 = arith.constant 0 : index
      %get3A_112 = vector.load %arg3[%get3A_110, %get3A_111] : memref<4096x1xf32, #tpu.memory_space<vmem>>, vector<512x1xf32>
      %concatenate3A_113 = tpu.concatenate %convert_element_type3A_109, %dot_general3A_104, %get3A_112 in 1 : vector<512x1xf32>, vector<512x1xf32>, vector<512x1xf32> -> vector<512x3xf32>
      %dot_general3A_114 = arith.constant dense<0.000000e+00> : vector<512x3xf32>
      %dot_general3A_115 = tpu.matmul %convert_element_type3A_99, %concatenate3A_113, %dot_general3A_114 {dimension_numbers = #tpu.dot_dimension_numbers<[1], [0], [0], [1], [0, 0, 1, 1], [], []>, precision = #tpu.contract_precision<fp32>, transpose_lhs_hint = false} : vector<512x512xf32>, vector<512x3xf32>, vector<512x3xf32> -> vector<512x3xf32>
      %add3A_116 = arith.addf %add3A_91, %dot_general3A_115 : vector<512x3xf32>
      %get3A_117 = arith.constant 4 : index
      %get3A_118 = arith.constant 0 : index
      %get3A_119 = vector.load %arg8[%get3A_117, %get3A_118] : memref<8x512xf32, #tpu.memory_space<vmem>>, vector<1x512xf32>
      %eq3A_120 = vector.broadcast %get3A_119 : vector<1x512xf32> to vector<512x512xf32>
      %eq3A_121 = vector.broadcast %convert_element_type3A_18 : vector<512x1xf32> to vector<512x512xf32>
      %eq3A_122 = arith.cmpf oeq, %eq3A_120, %eq3A_121 : vector<512x512xf32>
      %convert_element_type3A_123 = arith.extui %eq3A_122 : vector<512x512xi1> to vector<512x512xi32>
      %convert_element_type3A_124 = arith.sitofp %convert_element_type3A_123 : vector<512x512xi32> to vector<512x512xf32>
      %get3A_125 = arith.constant 4 : index
      %get3A_126 = arith.constant 0 : index
      %get3A_127 = vector.load %arg7[%get3A_125, %get3A_126] : memref<8x512xf32, #tpu.memory_space<vmem>>, vector<1x512xf32>
      %dot_general3A_128 = arith.constant dense<0.000000e+00> : vector<512x1xf32>
      %dot_general3A_129 = tpu.matmul %convert_element_type3A_1, %get3A_127, %dot_general3A_128 {dimension_numbers = #tpu.dot_dimension_numbers<[1], [1], [0], [0], [0, 0, 1, 0], [], []>, precision = #tpu.contract_precision<fp32>, transpose_lhs_hint = false} : vector<512x512xf32>, vector<1x512xf32>, vector<512x1xf32> -> vector<512x1xf32>
      %iota3A_130 = tpu.iota {dimensions = array<i32: 0>} : vector<512x1xi32>
      %add3A_131 = arith.constant 2048 : i32
      %add3A_132 = vector.broadcast %add3A_131 : i32 to vector<512x1xi32>
      %add3A_133 = arith.addi %iota3A_130, %add3A_132 : vector<512x1xi32>
      %convert_element_type3A_134 = arith.sitofp %add3A_133 : vector<512x1xi32> to vector<512x1xf32>
      %get3A_135 = arith.constant 2048 : index
      %get3A_136 = arith.constant 0 : index
      %get3A_137 = vector.load %arg3[%get3A_135, %get3A_136] : memref<4096x1xf32, #tpu.memory_space<vmem>>, vector<512x1xf32>
      %concatenate3A_138 = tpu.concatenate %convert_element_type3A_134, %dot_general3A_129, %get3A_137 in 1 : vector<512x1xf32>, vector<512x1xf32>, vector<512x1xf32> -> vector<512x3xf32>
      %dot_general3A_139 = arith.constant dense<0.000000e+00> : vector<512x3xf32>
      %dot_general3A_140 = tpu.matmul %convert_element_type3A_124, %concatenate3A_138, %dot_general3A_139 {dimension_numbers = #tpu.dot_dimension_numbers<[1], [0], [0], [1], [0, 0, 1, 1], [], []>, precision = #tpu.contract_precision<fp32>, transpose_lhs_hint = false} : vector<512x512xf32>, vector<512x3xf32>, vector<512x3xf32> -> vector<512x3xf32>
      %add3A_141 = arith.addf %add3A_116, %dot_general3A_140 : vector<512x3xf32>
      %get3A_142 = arith.constant 5 : index
      %get3A_143 = arith.constant 0 : index
      %get3A_144 = vector.load %arg8[%get3A_142, %get3A_143] : memref<8x512xf32, #tpu.memory_space<vmem>>, vector<1x512xf32>
      %eq3A_145 = vector.broadcast %get3A_144 : vector<1x512xf32> to vector<512x512xf32>
      %eq3A_146 = vector.broadcast %convert_element_type3A_18 : vector<512x1xf32> to vector<512x512xf32>
      %eq3A_147 = arith.cmpf oeq, %eq3A_145, %eq3A_146 : vector<512x512xf32>
      %convert_element_type3A_148 = arith.extui %eq3A_147 : vector<512x512xi1> to vector<512x512xi32>
      %convert_element_type3A_149 = arith.sitofp %convert_element_type3A_148 : vector<512x512xi32> to vector<512x512xf32>
      %get3A_150 = arith.constant 5 : index
      %get3A_151 = arith.constant 0 : index
      %get3A_152 = vector.load %arg7[%get3A_150, %get3A_151] : memref<8x512xf32, #tpu.memory_space<vmem>>, vector<1x512xf32>
      %dot_general3A_153 = arith.constant dense<0.000000e+00> : vector<512x1xf32>
      %dot_general3A_154 = tpu.matmul %convert_element_type3A_1, %get3A_152, %dot_general3A_153 {dimension_numbers = #tpu.dot_dimension_numbers<[1], [1], [0], [0], [0, 0, 1, 0], [], []>, precision = #tpu.contract_precision<fp32>, transpose_lhs_hint = false} : vector<512x512xf32>, vector<1x512xf32>, vector<512x1xf32> -> vector<512x1xf32>
      %iota3A_155 = tpu.iota {dimensions = array<i32: 0>} : vector<512x1xi32>
      %add3A_156 = arith.constant 2560 : i32
      %add3A_157 = vector.broadcast %add3A_156 : i32 to vector<512x1xi32>
      %add3A_158 = arith.addi %iota3A_155, %add3A_157 : vector<512x1xi32>
      %convert_element_type3A_159 = arith.sitofp %add3A_158 : vector<512x1xi32> to vector<512x1xf32>
      %get3A_160 = arith.constant 2560 : index
      %get3A_161 = arith.constant 0 : index
      %get3A_162 = vector.load %arg3[%get3A_160, %get3A_161] : memref<4096x1xf32, #tpu.memory_space<vmem>>, vector<512x1xf32>
      %concatenate3A_163 = tpu.concatenate %convert_element_type3A_159, %dot_general3A_154, %get3A_162 in 1 : vector<512x1xf32>, vector<512x1xf32>, vector<512x1xf32> -> vector<512x3xf32>
      %dot_general3A_164 = arith.constant dense<0.000000e+00> : vector<512x3xf32>
      %dot_general3A_165 = tpu.matmul %convert_element_type3A_149, %concatenate3A_163, %dot_general3A_164 {dimension_numbers = #tpu.dot_dimension_numbers<[1], [0], [0], [1], [0, 0, 1, 1], [], []>, precision = #tpu.contract_precision<fp32>, transpose_lhs_hint = false} : vector<512x512xf32>, vector<512x3xf32>, vector<512x3xf32> -> vector<512x3xf32>
      %add3A_166 = arith.addf %add3A_141, %dot_general3A_165 : vector<512x3xf32>
      %get3A_167 = arith.constant 6 : index
      %get3A_168 = arith.constant 0 : index
      %get3A_169 = vector.load %arg8[%get3A_167, %get3A_168] : memref<8x512xf32, #tpu.memory_space<vmem>>, vector<1x512xf32>
      %eq3A_170 = vector.broadcast %get3A_169 : vector<1x512xf32> to vector<512x512xf32>
      %eq3A_171 = vector.broadcast %convert_element_type3A_18 : vector<512x1xf32> to vector<512x512xf32>
      %eq3A_172 = arith.cmpf oeq, %eq3A_170, %eq3A_171 : vector<512x512xf32>
      %convert_element_type3A_173 = arith.extui %eq3A_172 : vector<512x512xi1> to vector<512x512xi32>
      %convert_element_type3A_174 = arith.sitofp %convert_element_type3A_173 : vector<512x512xi32> to vector<512x512xf32>
      %get3A_175 = arith.constant 6 : index
      %get3A_176 = arith.constant 0 : index
      %get3A_177 = vector.load %arg7[%get3A_175, %get3A_176] : memref<8x512xf32, #tpu.memory_space<vmem>>, vector<1x512xf32>
      %dot_general3A_178 = arith.constant dense<0.000000e+00> : vector<512x1xf32>
      %dot_general3A_179 = tpu.matmul %convert_element_type3A_1, %get3A_177, %dot_general3A_178 {dimension_numbers = #tpu.dot_dimension_numbers<[1], [1], [0], [0], [0, 0, 1, 0], [], []>, precision = #tpu.contract_precision<fp32>, transpose_lhs_hint = false} : vector<512x512xf32>, vector<1x512xf32>, vector<512x1xf32> -> vector<512x1xf32>
      %iota3A_180 = tpu.iota {dimensions = array<i32: 0>} : vector<512x1xi32>
      %add3A_181 = arith.constant 3072 : i32
      %add3A_182 = vector.broadcast %add3A_181 : i32 to vector<512x1xi32>
      %add3A_183 = arith.addi %iota3A_180, %add3A_182 : vector<512x1xi32>
      %convert_element_type3A_184 = arith.sitofp %add3A_183 : vector<512x1xi32> to vector<512x1xf32>
      %get3A_185 = arith.constant 3072 : index
      %get3A_186 = arith.constant 0 : index
      %get3A_187 = vector.load %arg3[%get3A_185, %get3A_186] : memref<4096x1xf32, #tpu.memory_space<vmem>>, vector<512x1xf32>
      %concatenate3A_188 = tpu.concatenate %convert_element_type3A_184, %dot_general3A_179, %get3A_187 in 1 : vector<512x1xf32>, vector<512x1xf32>, vector<512x1xf32> -> vector<512x3xf32>
      %dot_general3A_189 = arith.constant dense<0.000000e+00> : vector<512x3xf32>
      %dot_general3A_190 = tpu.matmul %convert_element_type3A_174, %concatenate3A_188, %dot_general3A_189 {dimension_numbers = #tpu.dot_dimension_numbers<[1], [0], [0], [1], [0, 0, 1, 1], [], []>, precision = #tpu.contract_precision<fp32>, transpose_lhs_hint = false} : vector<512x512xf32>, vector<512x3xf32>, vector<512x3xf32> -> vector<512x3xf32>
      %add3A_191 = arith.addf %add3A_166, %dot_general3A_190 : vector<512x3xf32>
      %get3A_192 = arith.constant 7 : index
      %get3A_193 = arith.constant 0 : index
      %get3A_194 = vector.load %arg8[%get3A_192, %get3A_193] : memref<8x512xf32, #tpu.memory_space<vmem>>, vector<1x512xf32>
      %eq3A_195 = vector.broadcast %get3A_194 : vector<1x512xf32> to vector<512x512xf32>
      %eq3A_196 = vector.broadcast %convert_element_type3A_18 : vector<512x1xf32> to vector<512x512xf32>
      %eq3A_197 = arith.cmpf oeq, %eq3A_195, %eq3A_196 : vector<512x512xf32>
      %convert_element_type3A_198 = arith.extui %eq3A_197 : vector<512x512xi1> to vector<512x512xi32>
      %convert_element_type3A_199 = arith.sitofp %convert_element_type3A_198 : vector<512x512xi32> to vector<512x512xf32>
      %get3A_200 = arith.constant 7 : index
      %get3A_201 = arith.constant 0 : index
      %get3A_202 = vector.load %arg7[%get3A_200, %get3A_201] : memref<8x512xf32, #tpu.memory_space<vmem>>, vector<1x512xf32>
      %dot_general3A_203 = arith.constant dense<0.000000e+00> : vector<512x1xf32>
      %dot_general3A_204 = tpu.matmul %convert_element_type3A_1, %get3A_202, %dot_general3A_203 {dimension_numbers = #tpu.dot_dimension_numbers<[1], [1], [0], [0], [0, 0, 1, 0], [], []>, precision = #tpu.contract_precision<fp32>, transpose_lhs_hint = false} : vector<512x512xf32>, vector<1x512xf32>, vector<512x1xf32> -> vector<512x1xf32>
      %iota3A_205 = tpu.iota {dimensions = array<i32: 0>} : vector<512x1xi32>
      %add3A_206 = arith.constant 3584 : i32
      %add3A_207 = vector.broadcast %add3A_206 : i32 to vector<512x1xi32>
      %add3A_208 = arith.addi %iota3A_205, %add3A_207 : vector<512x1xi32>
      %convert_element_type3A_209 = arith.sitofp %add3A_208 : vector<512x1xi32> to vector<512x1xf32>
      %get3A_210 = arith.constant 3584 : index
      %get3A_211 = arith.constant 0 : index
      %get3A_212 = vector.load %arg3[%get3A_210, %get3A_211] : memref<4096x1xf32, #tpu.memory_space<vmem>>, vector<512x1xf32>
      %concatenate3A_213 = tpu.concatenate %convert_element_type3A_209, %dot_general3A_204, %get3A_212 in 1 : vector<512x1xf32>, vector<512x1xf32>, vector<512x1xf32> -> vector<512x3xf32>
      %dot_general3A_214 = arith.constant dense<0.000000e+00> : vector<512x3xf32>
      %dot_general3A_215 = tpu.matmul %convert_element_type3A_199, %concatenate3A_213, %dot_general3A_214 {dimension_numbers = #tpu.dot_dimension_numbers<[1], [0], [0], [1], [0, 0, 1, 1], [], []>, precision = #tpu.contract_precision<fp32>, transpose_lhs_hint = false} : vector<512x512xf32>, vector<512x3xf32>, vector<512x3xf32> -> vector<512x3xf32>
      %add3A_216 = arith.addf %add3A_191, %dot_general3A_215 : vector<512x3xf32>
      %slice3A = vector.extract_strided_slice %add3A_216 {offsets = [0, 0], sizes = [512, 1], strides = [1, 1]} : vector<512x3xf32> to vector<512x1xf32>
      %slice3A_217 = vector.extract_strided_slice %add3A_216 {offsets = [0, 1], sizes = [512, 1], strides = [1, 1]} : vector<512x3xf32> to vector<512x1xf32>
      %slice3A_218 = vector.extract_strided_slice %add3A_216 {offsets = [0, 2], sizes = [512, 1], strides = [1, 1]} : vector<512x3xf32> to vector<512x1xf32>
      %lt3A_219 = arith.constant 400 : i32
      %lt3A_220 = vector.broadcast %lt3A_219 : i32 to vector<512x1xi32>
      %lt3A_221 = arith.cmpi slt, %iota3A_17, %lt3A_220 : vector<512x1xi32>
      %jit3A = arith.constant 0.000000e+00 : f32
      %broadcast_in_dim3A_222 = vector.broadcast %jit3A : f32 to vector<512x1xf32>
      %select_n3A = arith.select %lt3A_221, %slice3A, %broadcast_in_dim3A_222 : vector<512x1xi1>, vector<512x1xf32>
      %convert_element_type3A_223 = arith.fptosi %select_n3A : vector<512x1xf32> to vector<512x1xi32>
      %swap3A = arith.constant 0 : index
      %swap3A_224 = arith.constant 0 : index
      %swap3A_225 = vector.load %arg5[%swap3A, %swap3A_224] : memref<512x1xi32, #tpu.memory_space<vmem>>, vector<512x1xi32>
      tpu.vector_store %arg5[%swap3A, %swap3A_224], %convert_element_type3A_223 {strides = array<i32>} : memref<512x1xi32, #tpu.memory_space<vmem>>, vector<512x1xi32>,
      %mul3A = arith.mulf %slice3A_218, %slice3A_217 : vector<512x1xf32>
      %jit3A_226 = arith.constant 0.000000e+00 : f32
      %broadcast_in_dim3A_227 = vector.broadcast %jit3A_226 : f32 to vector<512x1xf32>
      %select_n3A_228 = arith.select %lt3A_221, %mul3A, %broadcast_in_dim3A_227 : vector<512x1xi1>, vector<512x1xf32>
      %swap3A_229 = arith.constant 0 : index
      %swap3A_230 = arith.constant 0 : index
      %swap3A_231 = vector.load %arg6[%swap3A_229, %swap3A_230] : memref<512x1xf32, #tpu.memory_space<vmem>>, vector<512x1xf32>
      tpu.vector_store %arg6[%swap3A_229, %swap3A_230], %select_n3A_228 {strides = array<i32>} : memref<512x1xf32, #tpu.memory_space<vmem>>, vector<512x1xf32>,
    } else {
    }
    return
  }
  func.func @transform_0(%arg0: i32) -> (i32, i32) {
    %min3A = arith.constant 7 : i32
    %min3A_0 = arith.minsi %arg0, %min3A : i32
    %c0_i32 = arith.constant 0 : i32
    %c0_i32_1 = arith.constant 0 : i32
    return %min3A_0, %c0_i32 : i32, i32
  }
  func.func @transform_1(%arg0: i32) -> (i32, i32) {
    %c0_i32 = arith.constant 0 : i32
    %c0_i32_0 = arith.constant 0 : i32
    %c0_i32_1 = arith.constant 0 : i32
    return %c0_i32, %c0_i32_0 : i32, i32
  }
  func.func @transform_2(%arg0: i32) -> (i32, i32) {
    %c0_i32 = arith.constant 0 : i32
    %c0_i32_0 = arith.constant 0 : i32
    %c0_i32_1 = arith.constant 0 : i32
    return %c0_i32, %c0_i32_0 : i32, i32
  }
  func.func @transform_3(%arg0: i32) -> i32 {
    %c0_i32 = arith.constant 0 : i32
    %c0_i32_0 = arith.constant 0 : i32
    return %c0_i32 : i32
  }
  func.func @transform_4(%arg0: i32) -> (i32, i32) {
    %c0_i32 = arith.constant 0 : i32
    %c0_i32_0 = arith.constant 0 : i32
    %c0_i32_1 = arith.constant 0 : i32
    return %c0_i32, %c0_i32_0 : i32, i32
  }
  func.func @transform_5(%arg0: i32) -> (i32, i32) {
    %c0_i32 = arith.constant 0 : i32
    %c0_i32_0 = arith.constant 0 : i32
    %c0_i32_1 = arith.constant 0 : i32
    return %c0_i32, %c0_i32_0 : i32, i32
  }
}

module attributes {stable_mosaic.version = 14 : i64} {
  func.func @_k6_body(%arg0: i32, %arg1: memref<400x512xf32, #tpu.memory_space<vmem>>, %arg2: memref<512x4096xbf16, #tpu.memory_space<vmem>>, %arg3: memref<1x512xi32, #tpu.memory_space<vmem>>, %arg4: memref<512x1xf32, #tpu.memory_space<vmem>>, %arg5: memref<512x4xf32, #tpu.memory_space<vmem>>, %arg6: memref<10xf32, #tpu.memory_space<smem>>, %arg7: memref<400x1xf32, #tpu.memory_space<vmem>>, %arg8: memref<300x1xf32, #tpu.memory_space<vmem>>, %arg9: memref<200x1xf32, #tpu.memory_space<vmem>>, %arg10: memref<100x1xf32, #tpu.memory_space<vmem>>, %arg11: memref<400x4096xf32, #tpu.memory_space<vmem>>) attributes {dimension_semantics = [#tpu.dimension_semantics<arbitrary>], iteration_bounds = array<i64: 8>, scalar_prefetch = 0 : i64, scratch_operands = 1 : i64, tpu.core_type = #tpu.core_type<tc>, window_params = [{transform_indices = @transform_0, window_bounds = array<i64: 400, 512>}, {transform_indices = @transform_1, window_bounds = array<i64: 512, 4096>}, {pipeline_mode = #tpu.pipeline_mode<synchronous>, transform_indices = @transform_2, window_bounds = array<i64: 1, 512>}, {pipeline_mode = #tpu.pipeline_mode<synchronous>, transform_indices = @transform_3, window_bounds = array<i64: 512, 1>}, {pipeline_mode = #tpu.pipeline_mode<synchronous>, transform_indices = @transform_4, window_bounds = array<i64: 512, 4>}, {transform_indices = @transform_5, window_bounds = array<i64: 10>}, {pipeline_mode = #tpu.pipeline_mode<synchronous>, transform_indices = @transform_6, window_bounds = array<i64: 400, 1>}, {pipeline_mode = #tpu.pipeline_mode<synchronous>, transform_indices = @transform_7, window_bounds = array<i64: 300, 1>}, {pipeline_mode = #tpu.pipeline_mode<synchronous>, transform_indices = @transform_8, window_bounds = array<i64: 200, 1>}, {pipeline_mode = #tpu.pipeline_mode<synchronous>, transform_indices = @transform_9, window_bounds = array<i64: 100, 1>}]} {
    %get3A = arith.constant 0 : index
    %get3A_0 = arith.constant 0 : index
    %get3A_1 = vector.load %arg1[%get3A, %get3A_0] : memref<400x512xf32, #tpu.memory_space<vmem>>, vector<400x512xf32>
    %ne3A = arith.constant 0.000000e+00 : f32
    %ne3A_2 = vector.broadcast %ne3A : f32 to vector<400x512xf32>
    %ne3A_3 = arith.cmpf one, %get3A_1, %ne3A_2 : vector<400x512xf32>
    %convert_element_type3A = arith.extui %ne3A_3 : vector<400x512xi1> to vector<400x512xi32>
    %convert_element_type3A_4 = arith.sitofp %convert_element_type3A : vector<400x512xi32> to vector<400x512xf32>
    %convert_element_type3A_5 = arith.truncf %convert_element_type3A_4 : vector<400x512xf32> to vector<400x512xbf16>
    %get3A_6 = arith.constant 0 : index
    %get3A_7 = arith.constant 0 : index
    %get3A_8 = vector.load %arg2[%get3A_6, %get3A_7] : memref<512x4096xbf16, #tpu.memory_space<vmem>>, vector<512x4096xbf16>
    %dot_general3A = arith.constant dense<0.000000e+00> : vector<400x4096xf32>
    %dot_general3A_9 = tpu.matmul %convert_element_type3A_5, %get3A_8, %dot_general3A {dimension_numbers = #tpu.dot_dimension_numbers<[1], [0], [0], [1], [0, 0, 1, 1], [], []>, transpose_lhs_hint = false} : vector<400x512xbf16>, vector<512x4096xbf16>, vector<400x4096xf32> -> vector<400x4096xf32>
    %eq3A = arith.constant 0 : i32
    %eq3A_10 = arith.cmpi eq, %arg0, %eq3A : i32
    %convert_element_type3A_11 = arith.extui %eq3A_10 : i1 to i32
    %cond3A = arith.constant 0 : i32
    %cond3A_12 = arith.cmpi ne, %convert_element_type3A_11, %cond3A : i32
    scf.if %cond3A_12 {
      %swap3A = arith.constant 0 : index
      %swap3A_22 = arith.constant 0 : index
      %swap3A_23 = vector.load %arg11[%swap3A, %swap3A_22] : memref<400x4096xf32, #tpu.memory_space<vmem>>, vector<400x4096xf32>
      tpu.vector_store %arg11[%swap3A, %swap3A_22], %dot_general3A_9 {strides = array<i32>} : memref<400x4096xf32, #tpu.memory_space<vmem>>, vector<400x4096xf32>,
    } else {
    }
    %gt3A = arith.constant 0 : i32
    %gt3A_13 = arith.cmpi sgt, %arg0, %gt3A : i32
    %convert_element_type3A_14 = arith.extui %gt3A_13 : i1 to i32
    %cond3A_15 = arith.constant 0 : i32
    %cond3A_16 = arith.cmpi ne, %convert_element_type3A_14, %cond3A_15 : i32
    scf.if %cond3A_16 {
      %get3A_22 = arith.constant 0 : index
      %get3A_23 = arith.constant 0 : index
      %get3A_24 = vector.load %arg11[%get3A_22, %get3A_23] : memref<400x4096xf32, #tpu.memory_space<vmem>>, vector<400x4096xf32>
      %add3A = arith.addf %get3A_24, %dot_general3A_9 : vector<400x4096xf32>
      %swap3A = arith.constant 0 : index
      %swap3A_25 = arith.constant 0 : index
      %swap3A_26 = vector.load %arg11[%swap3A, %swap3A_25] : memref<400x4096xf32, #tpu.memory_space<vmem>>, vector<400x4096xf32>
      tpu.vector_store %arg11[%swap3A, %swap3A_25], %add3A {strides = array<i32>} : memref<400x4096xf32, #tpu.memory_space<vmem>>, vector<400x4096xf32>,
    } else {
    }
    %eq3A_17 = arith.constant 7 : i32
    %eq3A_18 = arith.cmpi eq, %arg0, %eq3A_17 : i32
    %convert_element_type3A_19 = arith.extui %eq3A_18 : i1 to i32
    %cond3A_20 = arith.constant 0 : i32
    %cond3A_21 = arith.cmpi ne, %convert_element_type3A_19, %cond3A_20 : i32
    scf.if %cond3A_21 {
      %iota3A = tpu.iota {dimensions = array<i32: 0>} : vector<512x1xi32>
      %iota3A_22 = tpu.iota {dimensions = array<i32: 0>} : vector<512x512xi32>
      %iota3A_23 = tpu.iota {dimensions = array<i32: 1>} : vector<512x512xi32>
      %eq3A_24 = arith.cmpi eq, %iota3A_22, %iota3A_23 : vector<512x512xi32>
      %convert_element_type3A_25 = arith.extui %eq3A_24 : vector<512x512xi1> to vector<512x512xi32>
      %convert_element_type3A_26 = arith.sitofp %convert_element_type3A_25 : vector<512x512xi32> to vector<512x512xf32>
      %get3A_27 = arith.constant 0 : index
      %get3A_28 = arith.constant 0 : index
      %get3A_29 = vector.load %arg11[%get3A_27, %get3A_28] : memref<400x4096xf32, #tpu.memory_space<vmem>>, vector<400x4096xf32>
      %ne3A_30 = arith.constant 0.000000e+00 : f32
      %ne3A_31 = vector.broadcast %ne3A_30 : f32 to vector<400x4096xf32>
      %ne3A_32 = arith.cmpf one, %get3A_29, %ne3A_31 : vector<400x4096xf32>
      %convert_element_type3A_33 = arith.extui %ne3A_32 : vector<400x4096xi1> to vector<400x4096xi32>
      %convert_element_type3A_34 = arith.sitofp %convert_element_type3A_33 : vector<400x4096xi32> to vector<400x4096xf32>
      %convert_element_type3A_35 = arith.truncf %convert_element_type3A_34 : vector<400x4096xf32> to vector<400x4096xbf16>
      %iota3A_36 = tpu.iota {dimensions = array<i32: 0>} : vector<4096x512xi32>
      %iota3A_37 = tpu.iota {dimensions = array<i32: 1>} : vector<4096x512xi32>
      %get3A_38 = arith.constant 0 : index
      %get3A_39 = arith.constant 0 : index
      %get3A_40 = vector.load %arg3[%get3A_38, %get3A_39] : memref<1x512xi32, #tpu.memory_space<vmem>>, vector<1x512xi32>
      %eq3A_41 = vector.broadcast %get3A_40 : vector<1x512xi32> to vector<4096x512xi32>
      %eq3A_42 = arith.cmpi eq, %iota3A_36, %eq3A_41 : vector<4096x512xi32>
      %lt3A = arith.constant 400 : i32
      %lt3A_43 = vector.broadcast %lt3A : i32 to vector<4096x512xi32>
      %lt3A_44 = arith.cmpi slt, %iota3A_37, %lt3A_43 : vector<4096x512xi32>
      %and3A = arith.andi %eq3A_42, %lt3A_44 : vector<4096x512xi1>
      %convert_element_type3A_45 = arith.extui %and3A : vector<4096x512xi1> to vector<4096x512xi32>
      %convert_element_type3A_46 = arith.sitofp %convert_element_type3A_45 : vector<4096x512xi32> to vector<4096x512xf32>
      %convert_element_type3A_47 = arith.truncf %convert_element_type3A_46 : vector<4096x512xf32> to vector<4096x512xbf16>
      %dot_general3A_48 = arith.constant dense<0.000000e+00> : vector<400x512xf32>
      %dot_general3A_49 = tpu.matmul %convert_element_type3A_35, %convert_element_type3A_47, %dot_general3A_48 {dimension_numbers = #tpu.dot_dimension_numbers<[1], [0], [0], [1], [0, 0, 1, 1], [], []>, transpose_lhs_hint = false} : vector<400x4096xbf16>, vector<4096x512xbf16>, vector<400x512xf32> -> vector<400x512xf32>
      %broadcast_in_dim3A = arith.constant 0.000000e+00 : f32
      %broadcast_in_dim3A_50 = vector.broadcast %broadcast_in_dim3A : f32 to vector<112x512xf32>
      %concatenate3A = tpu.concatenate %dot_general3A_49, %broadcast_in_dim3A_50 in 0 : vector<400x512xf32>, vector<112x512xf32> -> vector<512x512xf32>
      %broadcast_in_dim3A_51 = arith.constant 1.000000e+00 : f32
      %broadcast_in_dim3A_52 = vector.broadcast %broadcast_in_dim3A_51 : f32 to vector<512x1xf32>
      %dot_general3A_53 = arith.constant dense<0.000000e+00> : vector<512x1xf32>
      %dot_general3A_54 = tpu.matmul %concatenate3A, %broadcast_in_dim3A_52, %dot_general3A_53 {dimension_numbers = #tpu.dot_dimension_numbers<[1], [0], [0], [1], [0, 0, 1, 1], [], []>, transpose_lhs_hint = false} : vector<512x512xf32>, vector<512x1xf32>, vector<512x1xf32> -> vector<512x1xf32>
      %dot_general3A_55 = arith.constant dense<0.000000e+00> : vector<1x512xf32>
      %dot_general3A_56 = tpu.matmul %dot_general3A_54, %convert_element_type3A_26, %dot_general3A_55 {dimension_numbers = #tpu.dot_dimension_numbers<[0], [0], [1], [1], [0, 1, 1, 1], [], []>, precision = #tpu.contract_precision<fp32>, transpose_lhs_hint = false} : vector<512x1xf32>, vector<512x512xf32>, vector<1x512xf32> -> vector<1x512xf32>
      %max3A = arith.constant 1.000000e+00 : f32
      %max3A_57 = vector.broadcast %max3A : f32 to vector<1x512xf32>
      %max3A_58 = arith.maximumf %dot_general3A_56, %max3A_57 : vector<1x512xf32>
      %div3A = vector.broadcast %max3A_58 : vector<1x512xf32> to vector<512x512xf32>
      %div3A_59 = arith.divf %concatenate3A, %div3A : vector<512x512xf32>
      %get3A_60 = arith.constant 0 : index
      %get3A_61 = arith.constant 0 : index
      %get3A_62 = vector.load %arg4[%get3A_60, %get3A_61] : memref<512x1xf32, #tpu.memory_space<vmem>>, vector<512x1xf32>
      %dot_general3A_63 = arith.constant dense<0.000000e+00> : vector<1x512xf32>
      %dot_general3A_64 = tpu.matmul %get3A_62, %convert_element_type3A_26, %dot_general3A_63 {dimension_numbers = #tpu.dot_dimension_numbers<[0], [0], [1], [1], [0, 1, 1, 1], [], []>, precision = #tpu.contract_precision<fp32>, transpose_lhs_hint = false} : vector<512x1xf32>, vector<512x512xf32>, vector<1x512xf32> -> vector<1x512xf32>
      %convert_element_type3A_65 = arith.truncf %div3A_59 : vector<512x512xf32> to vector<512x512xbf16>
      %convert_element_type3A_66 = arith.extf %convert_element_type3A_65 : vector<512x512xbf16> to vector<512x512xf32>
      %convert_element_type3A_67 = arith.truncf %dot_general3A_64 : vector<1x512xf32> to vector<1x512xbf16>
      %convert_element_type3A_68 = arith.extf %convert_element_type3A_67 : vector<1x512xbf16> to vector<1x512xf32>
      %mul3A = vector.broadcast %convert_element_type3A_68 : vector<1x512xf32> to vector<512x512xf32>
      %mul3A_69 = arith.mulf %convert_element_type3A_66, %mul3A : vector<512x512xf32>
      %convert_element_type3A_70 = arith.truncf %mul3A_69 : vector<512x512xf32> to vector<512x512xbf16>
      %get3A_71 = arith.constant 0 : index
      %get3A_72 = arith.constant 0 : index
      %get3A_73 = vector.load %arg5[%get3A_71, %get3A_72] : memref<512x4xf32, #tpu.memory_space<vmem>>, vector<512x1xf32>
      %convert_element_type3A_74 = arith.truncf %get3A_73 : vector<512x1xf32> to vector<512x1xbf16>
      %dot_general3A_75 = arith.constant dense<0.000000e+00> : vector<512x1xf32>
      %dot_general3A_76 = tpu.matmul %convert_element_type3A_70, %convert_element_type3A_74, %dot_general3A_75 {dimension_numbers = #tpu.dot_dimension_numbers<[1], [0], [0], [1], [0, 0, 1, 1], [], []>, transpose_lhs_hint = false} : vector<512x512xbf16>, vector<512x1xbf16>, vector<512x1xf32> -> vector<512x1xf32>
      %get3A_77 = arith.constant 6 : index
      %get3A_78 = memref.load %arg6[%get3A_77] : memref<10xf32, #tpu.memory_space<smem>>
      %add3A = vector.broadcast %get3A_78 : f32 to vector<512x1xf32>
      %add3A_79 = arith.addf %dot_general3A_76, %add3A : vector<512x1xf32>
      %max3A_80 = arith.constant 0.000000e+00 : f32
      %max3A_81 = vector.broadcast %max3A_80 : f32 to vector<512x1xf32>
      %max3A_82 = arith.maximumf %add3A_79, %max3A_81 : vector<512x1xf32>
      %lt3A_83 = arith.constant 400 : i32
      %lt3A_84 = vector.broadcast %lt3A_83 : i32 to vector<512x1xi32>
      %lt3A_85 = arith.cmpi slt, %iota3A, %lt3A_84 : vector<512x1xi32>
      %convert_element_type3A_86 = arith.extui %lt3A_85 : vector<512x1xi1> to vector<512x1xi32>
      %convert_element_type3A_87 = arith.sitofp %convert_element_type3A_86 : vector<512x1xi32> to vector<512x1xf32>
      %mul3A_88 = arith.mulf %max3A_82, %convert_element_type3A_87 : vector<512x1xf32>
      %slice3A = vector.extract_strided_slice %mul3A_88 {offsets = [0, 0], sizes = [400, 1], strides = [1, 1]} : vector<512x1xf32> to vector<400x1xf32>
      %swap3A = arith.constant 0 : index
      %swap3A_89 = arith.constant 0 : index
      %swap3A_90 = vector.load %arg7[%swap3A, %swap3A_89] : memref<400x1xf32, #tpu.memory_space<vmem>>, vector<400x1xf32>
      tpu.vector_store %arg7[%swap3A, %swap3A_89], %slice3A {strides = array<i32>} : memref<400x1xf32, #tpu.memory_space<vmem>>, vector<400x1xf32>,
      %get3A_91 = arith.constant 0 : index
      %get3A_92 = memref.load %arg6[%get3A_91] : memref<10xf32, #tpu.memory_space<smem>>
      %get3A_93 = arith.constant 1 : index
      %get3A_94 = memref.load %arg6[%get3A_93] : memref<10xf32, #tpu.memory_space<smem>>
      %get3A_95 = arith.constant 7 : index
      %get3A_96 = memref.load %arg6[%get3A_95] : memref<10xf32, #tpu.memory_space<smem>>
      %convert_element_type3A_97 = arith.truncf %div3A_59 : vector<512x512xf32> to vector<512x512xbf16>
      %convert_element_type3A_98 = arith.truncf %mul3A_88 : vector<512x1xf32> to vector<512x1xbf16>
      %dot_general3A_99 = arith.constant dense<0.000000e+00> : vector<512x1xf32>
      %dot_general3A_100 = tpu.matmul %convert_element_type3A_97, %convert_element_type3A_98, %dot_general3A_99 {dimension_numbers = #tpu.dot_dimension_numbers<[1], [0], [0], [1], [0, 0, 1, 1], [], []>, transpose_lhs_hint = false} : vector<512x512xbf16>, vector<512x1xbf16>, vector<512x1xf32> -> vector<512x1xf32>
      %mul3A_101 = vector.broadcast %get3A_92 : f32 to vector<512x1xf32>
      %mul3A_102 = arith.mulf %dot_general3A_100, %mul3A_101 : vector<512x1xf32>
      %add3A_103 = vector.broadcast %get3A_94 : f32 to vector<512x1xf32>
      %add3A_104 = arith.addf %mul3A_102, %add3A_103 : vector<512x1xf32>
      %max3A_105 = arith.constant 0.000000e+00 : f32
      %max3A_106 = vector.broadcast %max3A_105 : f32 to vector<512x1xf32>
      %max3A_107 = arith.maximumf %add3A_104, %max3A_106 : vector<512x1xf32>
      %lt3A_108 = arith.constant 400 : i32
      %lt3A_109 = vector.broadcast %lt3A_108 : i32 to vector<512x1xi32>
      %lt3A_110 = arith.cmpi slt, %iota3A, %lt3A_109 : vector<512x1xi32>
      %logistic3A = arith.negf %max3A_107 : vector<512x1xf32>
      %logistic3A_111 = math.exp %logistic3A : vector<512x1xf32>
      %logistic3A_112 = arith.constant 1.000000e+00 : f32
      %logistic3A_113 = vector.broadcast %logistic3A_112 : f32 to vector<512x1xf32>
      %logistic3A_114 = arith.addf %logistic3A_113, %logistic3A_111 : vector<512x1xf32>
      %logistic3A_115 = arith.divf %logistic3A_113, %logistic3A_114 : vector<512x1xf32>
      %jit3A = arith.constant -1.000000e+00 : f32
      %broadcast_in_dim3A_116 = vector.broadcast %jit3A : f32 to vector<512x1xf32>
      %select_n3A = arith.select %lt3A_110, %logistic3A_115, %broadcast_in_dim3A_116 : vector<512x1xi1>, vector<512x1xf32>
      %dot_general3A_117 = arith.constant dense<0.000000e+00> : vector<1x512xf32>
      %dot_general3A_118 = tpu.matmul %select_n3A, %convert_element_type3A_26, %dot_general3A_117 {dimension_numbers = #tpu.dot_dimension_numbers<[0], [0], [1], [1], [0, 1, 1, 1], [], []>, precision = #tpu.contract_precision<fp32>, transpose_lhs_hint = false} : vector<512x1xf32>, vector<512x512xf32>, vector<1x512xf32> -> vector<1x512xf32>
      %iota3A_119 = tpu.iota {dimensions = array<i32: 0>} : vector<512x512xi32>
      %iota3A_120 = tpu.iota {dimensions = array<i32: 1>} : vector<512x512xi32>
      %gt3A_121 = vector.broadcast %dot_general3A_118 : vector<1x512xf32> to vector<512x512xf32>
      %gt3A_122 = vector.broadcast %select_n3A : vector<512x1xf32> to vector<512x512xf32>
      %gt3A_123 = arith.cmpf ogt, %gt3A_121, %gt3A_122 : vector<512x512xf32>
      %convert_element_type3A_124 = arith.extui %gt3A_123 : vector<512x512xi1> to vector<512x512xi32>
      %convert_element_type3A_125 = arith.sitofp %convert_element_type3A_124 : vector<512x512xi32> to vector<512x512xf32>
      %eq3A_126 = vector.broadcast %dot_general3A_118 : vector<1x512xf32> to vector<512x512xf32>
      %eq3A_127 = vector.broadcast %select_n3A : vector<512x1xf32> to vector<512x512xf32>
      %eq3A_128 = arith.cmpf oeq, %eq3A_126, %eq3A_127 : vector<512x512xf32>
      %lt3A_129 = arith.cmpi slt, %iota3A_120, %iota3A_119 : vector<512x512xi32>
      %and3A_130 = arith.andi %eq3A_128, %lt3A_129 : vector<512x512xi1>
      %convert_element_type3A_131 = arith.extui %and3A_130 : vector<512x512xi1> to vector<512x512xi32>
      %convert_element_type3A_132 = arith.sitofp %convert_element_type3A_131 : vector<512x512xi32> to vector<512x512xf32>
      %add3A_133 = arith.addf %convert_element_type3A_125, %convert_element_type3A_132 : vector<512x512xf32>
      %dot_general3A_134 = arith.constant dense<0.000000e+00> : vector<512x1xf32>
      %dot_general3A_135 = tpu.matmul %add3A_133, %broadcast_in_dim3A_52, %dot_general3A_134 {dimension_numbers = #tpu.dot_dimension_numbers<[1], [0], [0], [1], [0, 0, 1, 1], [], []>, transpose_lhs_hint = false} : vector<512x512xf32>, vector<512x1xf32>, vector<512x1xf32> -> vector<512x1xf32>
      %dot_general3A_136 = arith.constant dense<0.000000e+00> : vector<1x512xf32>
      %dot_general3A_137 = tpu.matmul %dot_general3A_135, %convert_element_type3A_26, %dot_general3A_136 {dimension_numbers = #tpu.dot_dimension_numbers<[0], [0], [1], [1], [0, 1, 1, 1], [], []>, precision = #tpu.contract_precision<fp32>, transpose_lhs_hint = false} : vector<512x1xf32>, vector<512x512xf32>, vector<1x512xf32> -> vector<1x512xf32>
      %convert_element_type3A_138 = arith.sitofp %iota3A : vector<512x1xi32> to vector<512x1xf32>
      %eq3A_139 = vector.broadcast %dot_general3A_137 : vector<1x512xf32> to vector<512x512xf32>
      %eq3A_140 = vector.broadcast %convert_element_type3A_138 : vector<512x1xf32> to vector<512x512xf32>
      %eq3A_141 = arith.cmpf oeq, %eq3A_139, %eq3A_140 : vector<512x512xf32>
      %lt3A_142 = arith.constant 300 : i32
      %lt3A_143 = vector.broadcast %lt3A_142 : i32 to vector<512x1xi32>
      %lt3A_144 = arith.cmpi slt, %iota3A, %lt3A_143 : vector<512x1xi32>
      %and3A_145 = vector.broadcast %lt3A_144 : vector<512x1xi1> to vector<512x512xi1>
      %and3A_146 = arith.andi %eq3A_141, %and3A_145 : vector<512x512xi1>
      %convert_element_type3A_147 = arith.extui %and3A_146 : vector<512x512xi1> to vector<512x512xi32>
      %convert_element_type3A_148 = arith.sitofp %convert_element_type3A_147 : vector<512x512xi32> to vector<512x512xf32>
      %dot_general3A_149 = arith.constant dense<0.000000e+00> : vector<512x1xf32>
      %dot_general3A_150 = tpu.matmul %convert_element_type3A_148, %select_n3A, %dot_general3A_149 {dimension_numbers = #tpu.dot_dimension_numbers<[1], [0], [0], [1], [0, 0, 1, 1], [], []>, precision = #tpu.contract_precision<fp32>, transpose_lhs_hint = false} : vector<512x512xf32>, vector<512x1xf32>, vector<512x1xf32> -> vector<512x1xf32>
      %dot_general3A_151 = arith.constant dense<0.000000e+00> : vector<512x1xf32>
      %dot_general3A_152 = tpu.matmul %convert_element_type3A_148, %mul3A_88, %dot_general3A_151 {dimension_numbers = #tpu.dot_dimension_numbers<[1], [0], [0], [1], [0, 0, 1, 1], [], []>, precision = #tpu.contract_precision<fp32>, transpose_lhs_hint = false} : vector<512x512xf32>, vector<512x1xf32>, vector<512x1xf32> -> vector<512x1xf32>
      %mul3A_153 = arith.mulf %dot_general3A_152, %dot_general3A_150 : vector<512x1xf32>
      %ne3A_154 = arith.constant 0.000000e+00 : f32
      %ne3A_155 = vector.broadcast %ne3A_154 : f32 to vector<512x512xf32>
      %ne3A_156 = arith.cmpf one, %div3A_59, %ne3A_155 : vector<512x512xf32>
      %convert_element_type3A_157 = arith.extui %ne3A_156 : vector<512x512xi1> to vector<512x512xi32>
      %convert_element_type3A_158 = arith.sitofp %convert_element_type3A_157 : vector<512x512xi32> to vector<512x512xf32>
      %convert_element_type3A_159 = arith.truncf %convert_element_type3A_158 : vector<512x512xf32> to vector<512x512xbf16>
      %dot_general3A_160 = arith.constant dense<0.000000e+00> : vector<512x512xf32>
      %dot_general3A_161 = tpu.matmul %convert_element_type3A_159, %convert_element_type3A_159, %dot_general3A_160 {dimension_numbers = #tpu.dot_dimension_numbers<[1], [0], [0], [1], [0, 0, 1, 1], [], []>, transpose_lhs_hint = false} : vector<512x512xbf16>, vector<512x512xbf16>, vector<512x512xf32> -> vector<512x512xf32>
      %ne3A_162 = arith.constant 0.000000e+00 : f32
      %ne3A_163 = vector.broadcast %ne3A_162 : f32 to vector<512x512xf32>
      %ne3A_164 = arith.cmpf one, %dot_general3A_161, %ne3A_163 : vector<512x512xf32>
      %convert_element_type3A_165 = arith.extui %ne3A_164 : vector<512x512xi1> to vector<512x512xi32>
      %convert_element_type3A_166 = arith.sitofp %convert_element_type3A_165 : vector<512x512xi32> to vector<512x512xf32>
      %dot_general3A_167 = arith.constant dense<0.000000e+00> : vector<512x512xf32>
      %dot_general3A_168 = tpu.matmul %convert_element_type3A_148, %convert_element_type3A_166, %dot_general3A_167 {dimension_numbers = #tpu.dot_dimension_numbers<[1], [0], [0], [1], [0, 0, 1, 1], [], []>, transpose_lhs_hint = false} : vector<512x512xf32>, vector<512x512xf32>, vector<512x512xf32> -> vector<512x512xf32>
      %dot_general3A_169 = arith.constant dense<0.000000e+00> : vector<512x512xf32>
      %dot_general3A_170 = tpu.matmul %dot_general3A_168, %convert_element_type3A_148, %dot_general3A_169 {dimension_numbers = #tpu.dot_dimension_numbers<[1], [1], [0], [0], [0, 0, 1, 0], [], []>, transpose_lhs_hint = false} : vector<512x512xf32>, vector<512x512xf32>, vector<512x512xf32> -> vector<512x512xf32>
      %dot_general3A_171 = arith.constant dense<0.000000e+00> : vector<512x1xf32>
      %dot_general3A_172 = tpu.matmul %dot_general3A_170, %broadcast_in_dim3A_52, %dot_general3A_171 {dimension_numbers = #tpu.dot_dimension_numbers<[1], [0], [0], [1], [0, 0, 1, 1], [], []>, transpose_lhs_hint = false} : vector<512x512xf32>, vector<512x1xf32>, vector<512x1xf32> -> vector<512x1xf32>
      %dot_general3A_173 = arith.constant dense<0.000000e+00> : vector<1x512xf32>
      %dot_general3A_174 = tpu.matmul %dot_general3A_172, %convert_element_type3A_26, %dot_general3A_173 {dimension_numbers = #tpu.dot_dimension_numbers<[0], [0], [1], [1], [0, 1, 1, 1], [], []>, precision = #tpu.contract_precision<fp32>, transpose_lhs_hint = false} : vector<512x1xf32>, vector<512x512xf32>, vector<1x512xf32> -> vector<1x512xf32>
      %max3A_175 = arith.constant 1.000000e+00 : f32
      %max3A_176 = vector.broadcast %max3A_175 : f32 to vector<1x512xf32>
      %max3A_177 = arith.maximumf %dot_general3A_174, %max3A_176 : vector<1x512xf32>
      %div3A_178 = vector.broadcast %max3A_177 : vector<1x512xf32> to vector<512x512xf32>
      %div3A_179 = arith.divf %dot_general3A_170, %div3A_178 : vector<512x512xf32>
      %dot_general3A_180 = arith.constant dense<0.000000e+00> : vector<1x512xf32>
      %dot_general3A_181 = tpu.matmul %mul3A_153, %convert_element_type3A_26, %dot_general3A_180 {dimension_numbers = #tpu.dot_dimension_numbers<[0], [0], [1], [1], [0, 1, 1, 1], [], []>, precision = #tpu.contract_precision<fp32>, transpose_lhs_hint = false} : vector<512x1xf32>, vector<512x512xf32>, vector<1x512xf32> -> vector<1x512xf32>
      %convert_element_type3A_182 = arith.truncf %div3A_179 : vector<512x512xf32> to vector<512x512xbf16>
      %convert_element_type3A_183 = arith.extf %convert_element_type3A_182 : vector<512x512xbf16> to vector<512x512xf32>
      %convert_element_type3A_184 = arith.truncf %dot_general3A_181 : vector<1x512xf32> to vector<1x512xbf16>
      %convert_element_type3A_185 = arith.extf %convert_element_type3A_184 : vector<1x512xbf16> to vector<1x512xf32>
      %mul3A_186 = vector.broadcast %convert_element_type3A_185 : vector<1x512xf32> to vector<512x512xf32>
      %mul3A_187 = arith.mulf %convert_element_type3A_183, %mul3A_186 : vector<512x512xf32>
      %convert_element_type3A_188 = arith.truncf %mul3A_187 : vector<512x512xf32> to vector<512x512xbf16>
      %get3A_189 = arith.constant 0 : index
      %get3A_190 = arith.constant 1 : index
      %get3A_191 = vector.load %arg5[%get3A_189, %get3A_190] : memref<512x4xf32, #tpu.memory_space<vmem>>, vector<512x1xf32>
      %convert_element_type3A_192 = arith.truncf %get3A_191 : vector<512x1xf32> to vector<512x1xbf16>
      %dot_general3A_193 = arith.constant dense<0.000000e+00> : vector<512x1xf32>
      %dot_general3A_194 = tpu.matmul %convert_element_type3A_188, %convert_element_type3A_192, %dot_general3A_193 {dimension_numbers = #tpu.dot_dimension_numbers<[1], [0], [0], [1], [0, 0, 1, 1], [], []>, transpose_lhs_hint = false} : vector<512x512xbf16>, vector<512x1xbf16>, vector<512x1xf32> -> vector<512x1xf32>
      %add3A_195 = vector.broadcast %get3A_96 : f32 to vector<512x1xf32>
      %add3A_196 = arith.addf %dot_general3A_194, %add3A_195 : vector<512x1xf32>
      %max3A_197 = arith.constant 0.000000e+00 : f32
      %max3A_198 = vector.broadcast %max3A_197 : f32 to vector<512x1xf32>
      %max3A_199 = arith.maximumf %add3A_196, %max3A_198 : vector<512x1xf32>
      %lt3A_200 = arith.constant 300 : i32
      %lt3A_201 = vector.broadcast %lt3A_200 : i32 to vector<512x1xi32>
      %lt3A_202 = arith.cmpi slt, %iota3A, %lt3A_201 : vector<512x1xi32>
      %convert_element_type3A_203 = arith.extui %lt3A_202 : vector<512x1xi1> to vector<512x1xi32>
      %convert_element_type3A_204 = arith.sitofp %convert_element_type3A_203 : vector<512x1xi32> to vector<512x1xf32>
      %mul3A_205 = arith.mulf %max3A_199, %convert_element_type3A_204 : vector<512x1xf32>
      %slice3A_206 = vector.extract_strided_slice %mul3A_205 {offsets = [0, 0], sizes = [300, 1], strides = [1, 1]} : vector<512x1xf32> to vector<300x1xf32>
      %swap3A_207 = arith.constant 0 : index
      %swap3A_208 = arith.constant 0 : index
      %swap3A_209 = vector.load %arg8[%swap3A_207, %swap3A_208] : memref<300x1xf32, #tpu.memory_space<vmem>>, vector<300x1xf32>
      tpu.vector_store %arg8[%swap3A_207, %swap3A_208], %slice3A_206 {strides = array<i32>} : memref<300x1xf32, #tpu.memory_space<vmem>>, vector<300x1xf32>,
      %get3A_210 = arith.constant 2 : index
      %get3A_211 = memref.load %arg6[%get3A_210] : memref<10xf32, #tpu.memory_space<smem>>
      %get3A_212 = arith.constant 3 : index
      %get3A_213 = memref.load %arg6[%get3A_212] : memref<10xf32, #tpu.memory_space<smem>>
      %get3A_214 = arith.constant 8 : index
      %get3A_215 = memref.load %arg6[%get3A_214] : memref<10xf32, #tpu.memory_space<smem>>
      %convert_element_type3A_216 = arith.truncf %div3A_179 : vector<512x512xf32> to vector<512x512xbf16>
      %convert_element_type3A_217 = arith.truncf %mul3A_205 : vector<512x1xf32> to vector<512x1xbf16>
      %dot_general3A_218 = arith.constant dense<0.000000e+00> : vector<512x1xf32>
      %dot_general3A_219 = tpu.matmul %convert_element_type3A_216, %convert_element_type3A_217, %dot_general3A_218 {dimension_numbers = #tpu.dot_dimension_numbers<[1], [0], [0], [1], [0, 0, 1, 1], [], []>, transpose_lhs_hint = false} : vector<512x512xbf16>, vector<512x1xbf16>, vector<512x1xf32> -> vector<512x1xf32>
      %mul3A_220 = vector.broadcast %get3A_211 : f32 to vector<512x1xf32>
      %mul3A_221 = arith.mulf %dot_general3A_219, %mul3A_220 : vector<512x1xf32>
      %add3A_222 = vector.broadcast %get3A_213 : f32 to vector<512x1xf32>
      %add3A_223 = arith.addf %mul3A_221, %add3A_222 : vector<512x1xf32>
      %max3A_224 = arith.constant 0.000000e+00 : f32
      %max3A_225 = vector.broadcast %max3A_224 : f32 to vector<512x1xf32>
      %max3A_226 = arith.maximumf %add3A_223, %max3A_225 : vector<512x1xf32>
      %lt3A_227 = arith.constant 300 : i32
      %lt3A_228 = vector.broadcast %lt3A_227 : i32 to vector<512x1xi32>
      %lt3A_229 = arith.cmpi slt, %iota3A, %lt3A_228 : vector<512x1xi32>
      %logistic3A_230 = arith.negf %max3A_226 : vector<512x1xf32>
      %logistic3A_231 = math.exp %logistic3A_230 : vector<512x1xf32>
      %logistic3A_232 = arith.constant 1.000000e+00 : f32
      %logistic3A_233 = vector.broadcast %logistic3A_232 : f32 to vector<512x1xf32>
      %logistic3A_234 = arith.addf %logistic3A_233, %logistic3A_231 : vector<512x1xf32>
      %logistic3A_235 = arith.divf %logistic3A_233, %logistic3A_234 : vector<512x1xf32>
      %jit3A_236 = arith.constant -1.000000e+00 : f32
      %broadcast_in_dim3A_237 = vector.broadcast %jit3A_236 : f32 to vector<512x1xf32>
      %select_n3A_238 = arith.select %lt3A_229, %logistic3A_235, %broadcast_in_dim3A_237 : vector<512x1xi1>, vector<512x1xf32>
      %dot_general3A_239 = arith.constant dense<0.000000e+00> : vector<1x512xf32>
      %dot_general3A_240 = tpu.matmul %select_n3A_238, %convert_element_type3A_26, %dot_general3A_239 {dimension_numbers = #tpu.dot_dimension_numbers<[0], [0], [1], [1], [0, 1, 1, 1], [], []>, precision = #tpu.contract_precision<fp32>, transpose_lhs_hint = false} : vector<512x1xf32>, vector<512x512xf32>, vector<1x512xf32> -> vector<1x512xf32>
      %iota3A_241 = tpu.iota {dimensions = array<i32: 0>} : vector<512x512xi32>
      %iota3A_242 = tpu.iota {dimensions = array<i32: 1>} : vector<512x512xi32>
      %gt3A_243 = vector.broadcast %dot_general3A_240 : vector<1x512xf32> to vector<512x512xf32>
      %gt3A_244 = vector.broadcast %select_n3A_238 : vector<512x1xf32> to vector<512x512xf32>
      %gt3A_245 = arith.cmpf ogt, %gt3A_243, %gt3A_244 : vector<512x512xf32>
      %convert_element_type3A_246 = arith.extui %gt3A_245 : vector<512x512xi1> to vector<512x512xi32>
      %convert_element_type3A_247 = arith.sitofp %convert_element_type3A_246 : vector<512x512xi32> to vector<512x512xf32>
      %eq3A_248 = vector.broadcast %dot_general3A_240 : vector<1x512xf32> to vector<512x512xf32>
      %eq3A_249 = vector.broadcast %select_n3A_238 : vector<512x1xf32> to vector<512x512xf32>
      %eq3A_250 = arith.cmpf oeq, %eq3A_248, %eq3A_249 : vector<512x512xf32>
      %lt3A_251 = arith.cmpi slt, %iota3A_242, %iota3A_241 : vector<512x512xi32>
      %and3A_252 = arith.andi %eq3A_250, %lt3A_251 : vector<512x512xi1>
      %convert_element_type3A_253 = arith.extui %and3A_252 : vector<512x512xi1> to vector<512x512xi32>
      %convert_element_type3A_254 = arith.sitofp %convert_element_type3A_253 : vector<512x512xi32> to vector<512x512xf32>
      %add3A_255 = arith.addf %convert_element_type3A_247, %convert_element_type3A_254 : vector<512x512xf32>
      %dot_general3A_256 = arith.constant dense<0.000000e+00> : vector<512x1xf32>
      %dot_general3A_257 = tpu.matmul %add3A_255, %broadcast_in_dim3A_52, %dot_general3A_256 {dimension_numbers = #tpu.dot_dimension_numbers<[1], [0], [0], [1], [0, 0, 1, 1], [], []>, transpose_lhs_hint = false} : vector<512x512xf32>, vector<512x1xf32>, vector<512x1xf32> -> vector<512x1xf32>
      %dot_general3A_258 = arith.constant dense<0.000000e+00> : vector<1x512xf32>
      %dot_general3A_259 = tpu.matmul %dot_general3A_257, %convert_element_type3A_26, %dot_general3A_258 {dimension_numbers = #tpu.dot_dimension_numbers<[0], [0], [1], [1], [0, 1, 1, 1], [], []>, precision = #tpu.contract_precision<fp32>, transpose_lhs_hint = false} : vector<512x1xf32>, vector<512x512xf32>, vector<1x512xf32> -> vector<1x512xf32>
      %convert_element_type3A_260 = arith.sitofp %iota3A : vector<512x1xi32> to vector<512x1xf32>
      %eq3A_261 = vector.broadcast %dot_general3A_259 : vector<1x512xf32> to vector<512x512xf32>
      %eq3A_262 = vector.broadcast %convert_element_type3A_260 : vector<512x1xf32> to vector<512x512xf32>
      %eq3A_263 = arith.cmpf oeq, %eq3A_261, %eq3A_262 : vector<512x512xf32>
      %lt3A_264 = arith.constant 200 : i32
      %lt3A_265 = vector.broadcast %lt3A_264 : i32 to vector<512x1xi32>
      %lt3A_266 = arith.cmpi slt, %iota3A, %lt3A_265 : vector<512x1xi32>
      %and3A_267 = vector.broadcast %lt3A_266 : vector<512x1xi1> to vector<512x512xi1>
      %and3A_268 = arith.andi %eq3A_263, %and3A_267 : vector<512x512xi1>
      %convert_element_type3A_269 = arith.extui %and3A_268 : vector<512x512xi1> to vector<512x512xi32>
      %convert_element_type3A_270 = arith.sitofp %convert_element_type3A_269 : vector<512x512xi32> to vector<512x512xf32>
      %dot_general3A_271 = arith.constant dense<0.000000e+00> : vector<512x1xf32>
      %dot_general3A_272 = tpu.matmul %convert_element_type3A_270, %select_n3A_238, %dot_general3A_271 {dimension_numbers = #tpu.dot_dimension_numbers<[1], [0], [0], [1], [0, 0, 1, 1], [], []>, precision = #tpu.contract_precision<fp32>, transpose_lhs_hint = false} : vector<512x512xf32>, vector<512x1xf32>, vector<512x1xf32> -> vector<512x1xf32>
      %dot_general3A_273 = arith.constant dense<0.000000e+00> : vector<512x1xf32>
      %dot_general3A_274 = tpu.matmul %convert_element_type3A_270, %mul3A_205, %dot_general3A_273 {dimension_numbers = #tpu.dot_dimension_numbers<[1], [0], [0], [1], [0, 0, 1, 1], [], []>, precision = #tpu.contract_precision<fp32>, transpose_lhs_hint = false} : vector<512x512xf32>, vector<512x1xf32>, vector<512x1xf32> -> vector<512x1xf32>
      %mul3A_275 = arith.mulf %dot_general3A_274, %dot_general3A_272 : vector<512x1xf32>
      %ne3A_276 = arith.constant 0.000000e+00 : f32
      %ne3A_277 = vector.broadcast %ne3A_276 : f32 to vector<512x512xf32>
      %ne3A_278 = arith.cmpf one, %div3A_179, %ne3A_277 : vector<512x512xf32>
      %convert_element_type3A_279 = arith.extui %ne3A_278 : vector<512x512xi1> to vector<512x512xi32>
      %convert_element_type3A_280 = arith.sitofp %convert_element_type3A_279 : vector<512x512xi32> to vector<512x512xf32>
      %convert_element_type3A_281 = arith.truncf %convert_element_type3A_280 : vector<512x512xf32> to vector<512x512xbf16>
      %dot_general3A_282 = arith.constant dense<0.000000e+00> : vector<512x512xf32>
      %dot_general3A_283 = tpu.matmul %convert_element_type3A_281, %convert_element_type3A_281, %dot_general3A_282 {dimension_numbers = #tpu.dot_dimension_numbers<[1], [0], [0], [1], [0, 0, 1, 1], [], []>, transpose_lhs_hint = false} : vector<512x512xbf16>, vector<512x512xbf16>, vector<512x512xf32> -> vector<512x512xf32>
      %ne3A_284 = arith.constant 0.000000e+00 : f32
      %ne3A_285 = vector.broadcast %ne3A_284 : f32 to vector<512x512xf32>
      %ne3A_286 = arith.cmpf one, %dot_general3A_283, %ne3A_285 : vector<512x512xf32>
      %convert_element_type3A_287 = arith.extui %ne3A_286 : vector<512x512xi1> to vector<512x512xi32>
      %convert_element_type3A_288 = arith.sitofp %convert_element_type3A_287 : vector<512x512xi32> to vector<512x512xf32>
      %dot_general3A_289 = arith.constant dense<0.000000e+00> : vector<512x512xf32>
      %dot_general3A_290 = tpu.matmul %convert_element_type3A_270, %convert_element_type3A_288, %dot_general3A_289 {dimension_numbers = #tpu.dot_dimension_numbers<[1], [0], [0], [1], [0, 0, 1, 1], [], []>, transpose_lhs_hint = false} : vector<512x512xf32>, vector<512x512xf32>, vector<512x512xf32> -> vector<512x512xf32>
      %dot_general3A_291 = arith.constant dense<0.000000e+00> : vector<512x512xf32>
      %dot_general3A_292 = tpu.matmul %dot_general3A_290, %convert_element_type3A_270, %dot_general3A_291 {dimension_numbers = #tpu.dot_dimension_numbers<[1], [1], [0], [0], [0, 0, 1, 0], [], []>, transpose_lhs_hint = false} : vector<512x512xf32>, vector<512x512xf32>, vector<512x512xf32> -> vector<512x512xf32>
      %dot_general3A_293 = arith.constant dense<0.000000e+00> : vector<512x1xf32>
      %dot_general3A_294 = tpu.matmul %dot_general3A_292, %broadcast_in_dim3A_52, %dot_general3A_293 {dimension_numbers = #tpu.dot_dimension_numbers<[1], [0], [0], [1], [0, 0, 1, 1], [], []>, transpose_lhs_hint = false} : vector<512x512xf32>, vector<512x1xf32>, vector<512x1xf32> -> vector<512x1xf32>
      %dot_general3A_295 = arith.constant dense<0.000000e+00> : vector<1x512xf32>
      %dot_general3A_296 = tpu.matmul %dot_general3A_294, %convert_element_type3A_26, %dot_general3A_295 {dimension_numbers = #tpu.dot_dimension_numbers<[0], [0], [1], [1], [0, 1, 1, 1], [], []>, precision = #tpu.contract_precision<fp32>, transpose_lhs_hint = false} : vector<512x1xf32>, vector<512x512xf32>, vector<1x512xf32> -> vector<1x512xf32>
      %max3A_297 = arith.constant 1.000000e+00 : f32
      %max3A_298 = vector.broadcast %max3A_297 : f32 to vector<1x512xf32>
      %max3A_299 = arith.maximumf %dot_general3A_296, %max3A_298 : vector<1x512xf32>
      %div3A_300 = vector.broadcast %max3A_299 : vector<1x512xf32> to vector<512x512xf32>
      %div3A_301 = arith.divf %dot_general3A_292, %div3A_300 : vector<512x512xf32>
      %dot_general3A_302 = arith.constant dense<0.000000e+00> : vector<1x512xf32>
      %dot_general3A_303 = tpu.matmul %mul3A_275, %convert_element_type3A_26, %dot_general3A_302 {dimension_numbers = #tpu.dot_dimension_numbers<[0], [0], [1], [1], [0, 1, 1, 1], [], []>, precision = #tpu.contract_precision<fp32>, transpose_lhs_hint = false} : vector<512x1xf32>, vector<512x512xf32>, vector<1x512xf32> -> vector<1x512xf32>
      %convert_element_type3A_304 = arith.truncf %div3A_301 : vector<512x512xf32> to vector<512x512xbf16>
      %convert_element_type3A_305 = arith.extf %convert_element_type3A_304 : vector<512x512xbf16> to vector<512x512xf32>
      %convert_element_type3A_306 = arith.truncf %dot_general3A_303 : vector<1x512xf32> to vector<1x512xbf16>
      %convert_element_type3A_307 = arith.extf %convert_element_type3A_306 : vector<1x512xbf16> to vector<1x512xf32>
      %mul3A_308 = vector.broadcast %convert_element_type3A_307 : vector<1x512xf32> to vector<512x512xf32>
      %mul3A_309 = arith.mulf %convert_element_type3A_305, %mul3A_308 : vector<512x512xf32>
      %convert_element_type3A_310 = arith.truncf %mul3A_309 : vector<512x512xf32> to vector<512x512xbf16>
      %get3A_311 = arith.constant 0 : index
      %get3A_312 = arith.constant 2 : index
      %get3A_313 = vector.load %arg5[%get3A_311, %get3A_312] : memref<512x4xf32, #tpu.memory_space<vmem>>, vector<512x1xf32>
      %convert_element_type3A_314 = arith.truncf %get3A_313 : vector<512x1xf32> to vector<512x1xbf16>
      %dot_general3A_315 = arith.constant dense<0.000000e+00> : vector<512x1xf32>
      %dot_general3A_316 = tpu.matmul %convert_element_type3A_310, %convert_element_type3A_314, %dot_general3A_315 {dimension_numbers = #tpu.dot_dimension_numbers<[1], [0], [0], [1], [0, 0, 1, 1], [], []>, transpose_lhs_hint = false} : vector<512x512xbf16>, vector<512x1xbf16>, vector<512x1xf32> -> vector<512x1xf32>
      %add3A_317 = vector.broadcast %get3A_215 : f32 to vector<512x1xf32>
      %add3A_318 = arith.addf %dot_general3A_316, %add3A_317 : vector<512x1xf32>
      %max3A_319 = arith.constant 0.000000e+00 : f32
      %max3A_320 = vector.broadcast %max3A_319 : f32 to vector<512x1xf32>
      %max3A_321 = arith.maximumf %add3A_318, %max3A_320 : vector<512x1xf32>
      %lt3A_322 = arith.constant 200 : i32
      %lt3A_323 = vector.broadcast %lt3A_322 : i32 to vector<512x1xi32>
      %lt3A_324 = arith.cmpi slt, %iota3A, %lt3A_323 : vector<512x1xi32>
      %convert_element_type3A_325 = arith.extui %lt3A_324 : vector<512x1xi1> to vector<512x1xi32>
      %convert_element_type3A_326 = arith.sitofp %convert_element_type3A_325 : vector<512x1xi32> to vector<512x1xf32>
      %mul3A_327 = arith.mulf %max3A_321, %convert_element_type3A_326 : vector<512x1xf32>
      %slice3A_328 = vector.extract_strided_slice %mul3A_327 {offsets = [0, 0], sizes = [200, 1], strides = [1, 1]} : vector<512x1xf32> to vector<200x1xf32>
      %swap3A_329 = arith.constant 0 : index
      %swap3A_330 = arith.constant 0 : index
      %swap3A_331 = vector.load %arg9[%swap3A_329, %swap3A_330] : memref<200x1xf32, #tpu.memory_space<vmem>>, vector<200x1xf32>
      tpu.vector_store %arg9[%swap3A_329, %swap3A_330], %slice3A_328 {strides = array<i32>} : memref<200x1xf32, #tpu.memory_space<vmem>>, vector<200x1xf32>,
      %get3A_332 = arith.constant 4 : index
      %get3A_333 = memref.load %arg6[%get3A_332] : memref<10xf32, #tpu.memory_space<smem>>
      %get3A_334 = arith.constant 5 : index
      %get3A_335 = memref.load %arg6[%get3A_334] : memref<10xf32, #tpu.memory_space<smem>>
      %get3A_336 = arith.constant 9 : index
      %get3A_337 = memref.load %arg6[%get3A_336] : memref<10xf32, #tpu.memory_space<smem>>
      %convert_element_type3A_338 = arith.truncf %div3A_301 : vector<512x512xf32> to vector<512x512xbf16>
      %convert_element_type3A_339 = arith.truncf %mul3A_327 : vector<512x1xf32> to vector<512x1xbf16>
      %dot_general3A_340 = arith.constant dense<0.000000e+00> : vector<512x1xf32>
      %dot_general3A_341 = tpu.matmul %convert_element_type3A_338, %convert_element_type3A_339, %dot_general3A_340 {dimension_numbers = #tpu.dot_dimension_numbers<[1], [0], [0], [1], [0, 0, 1, 1], [], []>, transpose_lhs_hint = false} : vector<512x512xbf16>, vector<512x1xbf16>, vector<512x1xf32> -> vector<512x1xf32>
      %mul3A_342 = vector.broadcast %get3A_333 : f32 to vector<512x1xf32>
      %mul3A_343 = arith.mulf %dot_general3A_341, %mul3A_342 : vector<512x1xf32>
      %add3A_344 = vector.broadcast %get3A_335 : f32 to vector<512x1xf32>
      %add3A_345 = arith.addf %mul3A_343, %add3A_344 : vector<512x1xf32>
      %max3A_346 = arith.constant 0.000000e+00 : f32
      %max3A_347 = vector.broadcast %max3A_346 : f32 to vector<512x1xf32>
      %max3A_348 = arith.maximumf %add3A_345, %max3A_347 : vector<512x1xf32>
      %lt3A_349 = arith.constant 200 : i32
      %lt3A_350 = vector.broadcast %lt3A_349 : i32 to vector<512x1xi32>
      %lt3A_351 = arith.cmpi slt, %iota3A, %lt3A_350 : vector<512x1xi32>
      %logistic3A_352 = arith.negf %max3A_348 : vector<512x1xf32>
      %logistic3A_353 = math.exp %logistic3A_352 : vector<512x1xf32>
      %logistic3A_354 = arith.constant 1.000000e+00 : f32
      %logistic3A_355 = vector.broadcast %logistic3A_354 : f32 to vector<512x1xf32>
      %logistic3A_356 = arith.addf %logistic3A_355, %logistic3A_353 : vector<512x1xf32>
      %logistic3A_357 = arith.divf %logistic3A_355, %logistic3A_356 : vector<512x1xf32>
      %jit3A_358 = arith.constant -1.000000e+00 : f32
      %broadcast_in_dim3A_359 = vector.broadcast %jit3A_358 : f32 to vector<512x1xf32>
      %select_n3A_360 = arith.select %lt3A_351, %logistic3A_357, %broadcast_in_dim3A_359 : vector<512x1xi1>, vector<512x1xf32>
      %dot_general3A_361 = arith.constant dense<0.000000e+00> : vector<1x512xf32>
      %dot_general3A_362 = tpu.matmul %select_n3A_360, %convert_element_type3A_26, %dot_general3A_361 {dimension_numbers = #tpu.dot_dimension_numbers<[0], [0], [1], [1], [0, 1, 1, 1], [], []>, precision = #tpu.contract_precision<fp32>, transpose_lhs_hint = false} : vector<512x1xf32>, vector<512x512xf32>, vector<1x512xf32> -> vector<1x512xf32>
      %iota3A_363 = tpu.iota {dimensions = array<i32: 0>} : vector<512x512xi32>
      %iota3A_364 = tpu.iota {dimensions = array<i32: 1>} : vector<512x512xi32>
      %gt3A_365 = vector.broadcast %dot_general3A_362 : vector<1x512xf32> to vector<512x512xf32>
      %gt3A_366 = vector.broadcast %select_n3A_360 : vector<512x1xf32> to vector<512x512xf32>
      %gt3A_367 = arith.cmpf ogt, %gt3A_365, %gt3A_366 : vector<512x512xf32>
      %convert_element_type3A_368 = arith.extui %gt3A_367 : vector<512x512xi1> to vector<512x512xi32>
      %convert_element_type3A_369 = arith.sitofp %convert_element_type3A_368 : vector<512x512xi32> to vector<512x512xf32>
      %eq3A_370 = vector.broadcast %dot_general3A_362 : vector<1x512xf32> to vector<512x512xf32>
      %eq3A_371 = vector.broadcast %select_n3A_360 : vector<512x1xf32> to vector<512x512xf32>
      %eq3A_372 = arith.cmpf oeq, %eq3A_370, %eq3A_371 : vector<512x512xf32>
      %lt3A_373 = arith.cmpi slt, %iota3A_364, %iota3A_363 : vector<512x512xi32>
      %and3A_374 = arith.andi %eq3A_372, %lt3A_373 : vector<512x512xi1>
      %convert_element_type3A_375 = arith.extui %and3A_374 : vector<512x512xi1> to vector<512x512xi32>
      %convert_element_type3A_376 = arith.sitofp %convert_element_type3A_375 : vector<512x512xi32> to vector<512x512xf32>
      %add3A_377 = arith.addf %convert_element_type3A_369, %convert_element_type3A_376 : vector<512x512xf32>
      %dot_general3A_378 = arith.constant dense<0.000000e+00> : vector<512x1xf32>
      %dot_general3A_379 = tpu.matmul %add3A_377, %broadcast_in_dim3A_52, %dot_general3A_378 {dimension_numbers = #tpu.dot_dimension_numbers<[1], [0], [0], [1], [0, 0, 1, 1], [], []>, transpose_lhs_hint = false} : vector<512x512xf32>, vector<512x1xf32>, vector<512x1xf32> -> vector<512x1xf32>
      %dot_general3A_380 = arith.constant dense<0.000000e+00> : vector<1x512xf32>
      %dot_general3A_381 = tpu.matmul %dot_general3A_379, %convert_element_type3A_26, %dot_general3A_380 {dimension_numbers = #tpu.dot_dimension_numbers<[0], [0], [1], [1], [0, 1, 1, 1], [], []>, precision = #tpu.contract_precision<fp32>, transpose_lhs_hint = false} : vector<512x1xf32>, vector<512x512xf32>, vector<1x512xf32> -> vector<1x512xf32>
      %convert_element_type3A_382 = arith.sitofp %iota3A : vector<512x1xi32> to vector<512x1xf32>
      %eq3A_383 = vector.broadcast %dot_general3A_381 : vector<1x512xf32> to vector<512x512xf32>
      %eq3A_384 = vector.broadcast %convert_element_type3A_382 : vector<512x1xf32> to vector<512x512xf32>
      %eq3A_385 = arith.cmpf oeq, %eq3A_383, %eq3A_384 : vector<512x512xf32>
      %lt3A_386 = arith.constant 100 : i32
      %lt3A_387 = vector.broadcast %lt3A_386 : i32 to vector<512x1xi32>
      %lt3A_388 = arith.cmpi slt, %iota3A, %lt3A_387 : vector<512x1xi32>
      %and3A_389 = vector.broadcast %lt3A_388 : vector<512x1xi1> to vector<512x512xi1>
      %and3A_390 = arith.andi %eq3A_385, %and3A_389 : vector<512x512xi1>
      %convert_element_type3A_391 = arith.extui %and3A_390 : vector<512x512xi1> to vector<512x512xi32>
      %convert_element_type3A_392 = arith.sitofp %convert_element_type3A_391 : vector<512x512xi32> to vector<512x512xf32>
      %dot_general3A_393 = arith.constant dense<0.000000e+00> : vector<512x1xf32>
      %dot_general3A_394 = tpu.matmul %convert_element_type3A_392, %select_n3A_360, %dot_general3A_393 {dimension_numbers = #tpu.dot_dimension_numbers<[1], [0], [0], [1], [0, 0, 1, 1], [], []>, precision = #tpu.contract_precision<fp32>, transpose_lhs_hint = false} : vector<512x512xf32>, vector<512x1xf32>, vector<512x1xf32> -> vector<512x1xf32>
      %dot_general3A_395 = arith.constant dense<0.000000e+00> : vector<512x1xf32>
      %dot_general3A_396 = tpu.matmul %convert_element_type3A_392, %mul3A_327, %dot_general3A_395 {dimension_numbers = #tpu.dot_dimension_numbers<[1], [0], [0], [1], [0, 0, 1, 1], [], []>, precision = #tpu.contract_precision<fp32>, transpose_lhs_hint = false} : vector<512x512xf32>, vector<512x1xf32>, vector<512x1xf32> -> vector<512x1xf32>
      %mul3A_397 = arith.mulf %dot_general3A_396, %dot_general3A_394 : vector<512x1xf32>
      %ne3A_398 = arith.constant 0.000000e+00 : f32
      %ne3A_399 = vector.broadcast %ne3A_398 : f32 to vector<512x512xf32>
      %ne3A_400 = arith.cmpf one, %div3A_301, %ne3A_399 : vector<512x512xf32>
      %convert_element_type3A_401 = arith.extui %ne3A_400 : vector<512x512xi1> to vector<512x512xi32>
      %convert_element_type3A_402 = arith.sitofp %convert_element_type3A_401 : vector<512x512xi32> to vector<512x512xf32>
      %convert_element_type3A_403 = arith.truncf %convert_element_type3A_402 : vector<512x512xf32> to vector<512x512xbf16>
      %dot_general3A_404 = arith.constant dense<0.000000e+00> : vector<512x512xf32>
      %dot_general3A_405 = tpu.matmul %convert_element_type3A_403, %convert_element_type3A_403, %dot_general3A_404 {dimension_numbers = #tpu.dot_dimension_numbers<[1], [0], [0], [1], [0, 0, 1, 1], [], []>, transpose_lhs_hint = false} : vector<512x512xbf16>, vector<512x512xbf16>, vector<512x512xf32> -> vector<512x512xf32>
      %ne3A_406 = arith.constant 0.000000e+00 : f32
      %ne3A_407 = vector.broadcast %ne3A_406 : f32 to vector<512x512xf32>
      %ne3A_408 = arith.cmpf one, %dot_general3A_405, %ne3A_407 : vector<512x512xf32>
      %convert_element_type3A_409 = arith.extui %ne3A_408 : vector<512x512xi1> to vector<512x512xi32>
      %convert_element_type3A_410 = arith.sitofp %convert_element_type3A_409 : vector<512x512xi32> to vector<512x512xf32>
      %dot_general3A_411 = arith.constant dense<0.000000e+00> : vector<512x512xf32>
      %dot_general3A_412 = tpu.matmul %convert_element_type3A_392, %convert_element_type3A_410, %dot_general3A_411 {dimension_numbers = #tpu.dot_dimension_numbers<[1], [0], [0], [1], [0, 0, 1, 1], [], []>, transpose_lhs_hint = false} : vector<512x512xf32>, vector<512x512xf32>, vector<512x512xf32> -> vector<512x512xf32>
      %dot_general3A_413 = arith.constant dense<0.000000e+00> : vector<512x512xf32>
      %dot_general3A_414 = tpu.matmul %dot_general3A_412, %convert_element_type3A_392, %dot_general3A_413 {dimension_numbers = #tpu.dot_dimension_numbers<[1], [1], [0], [0], [0, 0, 1, 0], [], []>, transpose_lhs_hint = false} : vector<512x512xf32>, vector<512x512xf32>, vector<512x512xf32> -> vector<512x512xf32>
      %dot_general3A_415 = arith.constant dense<0.000000e+00> : vector<512x1xf32>
      %dot_general3A_416 = tpu.matmul %dot_general3A_414, %broadcast_in_dim3A_52, %dot_general3A_415 {dimension_numbers = #tpu.dot_dimension_numbers<[1], [0], [0], [1], [0, 0, 1, 1], [], []>, transpose_lhs_hint = false} : vector<512x512xf32>, vector<512x1xf32>, vector<512x1xf32> -> vector<512x1xf32>
      %dot_general3A_417 = arith.constant dense<0.000000e+00> : vector<1x512xf32>
      %dot_general3A_418 = tpu.matmul %dot_general3A_416, %convert_element_type3A_26, %dot_general3A_417 {dimension_numbers = #tpu.dot_dimension_numbers<[0], [0], [1], [1], [0, 1, 1, 1], [], []>, precision = #tpu.contract_precision<fp32>, transpose_lhs_hint = false} : vector<512x1xf32>, vector<512x512xf32>, vector<1x512xf32> -> vector<1x512xf32>
      %max3A_419 = arith.constant 1.000000e+00 : f32
      %max3A_420 = vector.broadcast %max3A_419 : f32 to vector<1x512xf32>
      %max3A_421 = arith.maximumf %dot_general3A_418, %max3A_420 : vector<1x512xf32>
      %div3A_422 = vector.broadcast %max3A_421 : vector<1x512xf32> to vector<512x512xf32>
      %div3A_423 = arith.divf %dot_general3A_414, %div3A_422 : vector<512x512xf32>
      %dot_general3A_424 = arith.constant dense<0.000000e+00> : vector<1x512xf32>
      %dot_general3A_425 = tpu.matmul %mul3A_397, %convert_element_type3A_26, %dot_general3A_424 {dimension_numbers = #tpu.dot_dimension_numbers<[0], [0], [1], [1], [0, 1, 1, 1], [], []>, precision = #tpu.contract_precision<fp32>, transpose_lhs_hint = false} : vector<512x1xf32>, vector<512x512xf32>, vector<1x512xf32> -> vector<1x512xf32>
      %convert_element_type3A_426 = arith.truncf %div3A_423 : vector<512x512xf32> to vector<512x512xbf16>
      %convert_element_type3A_427 = arith.extf %convert_element_type3A_426 : vector<512x512xbf16> to vector<512x512xf32>
      %convert_element_type3A_428 = arith.truncf %dot_general3A_425 : vector<1x512xf32> to vector<1x512xbf16>
      %convert_element_type3A_429 = arith.extf %convert_element_type3A_428 : vector<1x512xbf16> to vector<1x512xf32>
      %mul3A_430 = vector.broadcast %convert_element_type3A_429 : vector<1x512xf32> to vector<512x512xf32>
      %mul3A_431 = arith.mulf %convert_element_type3A_427, %mul3A_430 : vector<512x512xf32>
      %convert_element_type3A_432 = arith.truncf %mul3A_431 : vector<512x512xf32> to vector<512x512xbf16>
      %get3A_433 = arith.constant 0 : index
      %get3A_434 = arith.constant 3 : index
      %get3A_435 = vector.load %arg5[%get3A_433, %get3A_434] : memref<512x4xf32, #tpu.memory_space<vmem>>, vector<512x1xf32>
      %convert_element_type3A_436 = arith.truncf %get3A_435 : vector<512x1xf32> to vector<512x1xbf16>
      %dot_general3A_437 = arith.constant dense<0.000000e+00> : vector<512x1xf32>
      %dot_general3A_438 = tpu.matmul %convert_element_type3A_432, %convert_element_type3A_436, %dot_general3A_437 {dimension_numbers = #tpu.dot_dimension_numbers<[1], [0], [0], [1], [0, 0, 1, 1], [], []>, transpose_lhs_hint = false} : vector<512x512xbf16>, vector<512x1xbf16>, vector<512x1xf32> -> vector<512x1xf32>
      %add3A_439 = vector.broadcast %get3A_337 : f32 to vector<512x1xf32>
      %add3A_440 = arith.addf %dot_general3A_438, %add3A_439 : vector<512x1xf32>
      %max3A_441 = arith.constant 0.000000e+00 : f32
      %max3A_442 = vector.broadcast %max3A_441 : f32 to vector<512x1xf32>
      %max3A_443 = arith.maximumf %add3A_440, %max3A_442 : vector<512x1xf32>
      %lt3A_444 = arith.constant 100 : i32
      %lt3A_445 = vector.broadcast %lt3A_444 : i32 to vector<512x1xi32>
      %lt3A_446 = arith.cmpi slt, %iota3A, %lt3A_445 : vector<512x1xi32>
      %convert_element_type3A_447 = arith.extui %lt3A_446 : vector<512x1xi1> to vector<512x1xi32>
      %convert_element_type3A_448 = arith.sitofp %convert_element_type3A_447 : vector<512x1xi32> to vector<512x1xf32>
      %mul3A_449 = arith.mulf %max3A_443, %convert_element_type3A_448 : vector<512x1xf32>
      %slice3A_450 = vector.extract_strided_slice %mul3A_449 {offsets = [0, 0], sizes = [100, 1], strides = [1, 1]} : vector<512x1xf32> to vector<100x1xf32>
      %swap3A_451 = arith.constant 0 : index
      %swap3A_452 = arith.constant 0 : index
      %swap3A_453 = vector.load %arg10[%swap3A_451, %swap3A_452] : memref<100x1xf32, #tpu.memory_space<vmem>>, vector<100x1xf32>
      tpu.vector_store %arg10[%swap3A_451, %swap3A_452], %slice3A_450 {strides = array<i32>} : memref<100x1xf32, #tpu.memory_space<vmem>>, vector<100x1xf32>,
    } else {
    }
    return
  }
  func.func @transform_0(%arg0: i32) -> (i32, i32) {
    %c0_i32 = arith.constant 0 : i32
    %c0_i32_0 = arith.constant 0 : i32
    return %c0_i32, %arg0 : i32, i32
  }
  func.func @transform_1(%arg0: i32) -> (i32, i32) {
    %c0_i32 = arith.constant 0 : i32
    %c0_i32_0 = arith.constant 0 : i32
    return %arg0, %c0_i32 : i32, i32
  }
  func.func @transform_2(%arg0: i32) -> (i32, i32) {
    %c0_i32 = arith.constant 0 : i32
    %c0_i32_0 = arith.constant 0 : i32
    %c0_i32_1 = arith.constant 0 : i32
    return %c0_i32, %c0_i32_0 : i32, i32
  }
  func.func @transform_3(%arg0: i32) -> (i32, i32) {
    %c0_i32 = arith.constant 0 : i32
    %c0_i32_0 = arith.constant 0 : i32
    %c0_i32_1 = arith.constant 0 : i32
    return %c0_i32, %c0_i32_0 : i32, i32
  }
  func.func @transform_4(%arg0: i32) -> (i32, i32) {
    %c0_i32 = arith.constant 0 : i32
    %c0_i32_0 = arith.constant 0 : i32
    %c0_i32_1 = arith.constant 0 : i32
    return %c0_i32, %c0_i32_0 : i32, i32
  }
  func.func @transform_5(%arg0: i32) -> i32 {
    %c0_i32 = arith.constant 0 : i32
    %c0_i32_0 = arith.constant 0 : i32
    return %c0_i32 : i32
  }
  func.func @transform_6(%arg0: i32) -> (i32, i32) {
    %c0_i32 = arith.constant 0 : i32
    %c0_i32_0 = arith.constant 0 : i32
    %c0_i32_1 = arith.constant 0 : i32
    return %c0_i32, %c0_i32_0 : i32, i32
  }
  func.func @transform_7(%arg0: i32) -> (i32, i32) {
    %c0_i32 = arith.constant 0 : i32
    %c0_i32_0 = arith.constant 0 : i32
    %c0_i32_1 = arith.constant 0 : i32
    return %c0_i32, %c0_i32_0 : i32, i32
  }
  func.func @transform_8(%arg0: i32) -> (i32, i32) {
    %c0_i32 = arith.constant 0 : i32
    %c0_i32_0 = arith.constant 0 : i32
    %c0_i32_1 = arith.constant 0 : i32
    return %c0_i32, %c0_i32_0 : i32, i32
  }
  func.func @transform_9(%arg0: i32) -> (i32, i32) {
    %c0_i32 = arith.constant 0 : i32
    %c0_i32_0 = arith.constant 0 : i32
    %c0_i32_1 = arith.constant 0 : i32
    return %c0_i32, %c0_i32_0 : i32, i32
  }
}

</mosaic_0001>

<sc_bundles>
// kernel: kernel.6.cloned.1.call-start
scs
__scs_entry_jumppad:
0x0: {  	(pc) =	sbr.rel $0x88, $3  }
0x1: {  	(tag) =	ssettag $0x0;
	lr =	simm.s32 $0x1  }
0x2: {  	[smem:$0x3F8D] =	sst lr;
	_ =	strace $0xD0000000  }
0x3: {  	_ = 	snop  }
0x4: {  	_ = 	snop  }
0x5: {  	_ = 	snop  }
0x6: {  	_ = 	snop  }
0x7: {  	_ = 	snop  }
__scs_overlays_trampoline_lowered:
0x8: {  	[smem:$0x3F9C] =	sst s0  }
0x9: {  	[smem:$0x3F9D] =	sst s1  }
0xa: {  	[smem:$0x3F9E] =	sst s2  }
0xb: {  	[smem:$0x3F9F] =	sst s3  }
0xc: {  	[smem:$0x3FA0] =	sst s4  }
0xd: {  	[smem:$0x3FA1] =	sst s5  }
0xe: {  	[smem:$0x3FA2] =	sst s6  }
0xf: {  	[smem:$0x3FA3] =	sst s7  }
0x10: {  	[smem:$0x3FA4] =	sst s8  }
0x11: {  	[smem:$0x3FA5] =	sst s9;
	s0 =	simm.s32 @!p0 $0x0  }
0x12: {  	s1 =	sld [smem:$0x3F8B];
	s0 =	simm.s32 @p0 $0x1  }
0x13: {  	[smem:$0x3FA6] =	sst s0;
	s0 =	simm.s32 @!p1 $0x0  }
0x14: {  	s2 =	sld [smem:$0x3F8A];
	s0 =	simm.s32 @p1 $0x1  }
0x15: {  	[smem:$0x3FA7] =	sst s0;
	s0 =	simm.s32 @!p2 $0x0  }
0x16: {  	s3 =	sld [smem:$0x3FDB];
	s0 =	simm.s32 @p2 $0x1  }
0x17: {  	s4 =	simm.s32 $0x1BF5;
	[smem:$0x3FA9] =	sst s0  }
0x18: {  	s0 =	sld [smem:$0x3F8C];
	_ =	swait.ge [sflag:s4], $0x0  }
0x19: {  	s7 =	sld [smem:$0x3F8D]  }
0x1a: {  	s8 =	sadd.s32 $0xFFFFE003, lr  }
0x1b: {  	s9 =	sadd.s32 $0xFFFFFEF7, lr;
	s5 =	simm.s32 $0xFFFFFFFF;
	p2 =	slt.u32 s8, $0xFFFFF086  }
0x1c: {  	p1 =	slt.u32 s9, $0xF7A;
	s5 =	simm.s32 @!p2 $0x0  }
0x1d: {  	s5 =	simm.s32 @p1 $0x1;
	p0 =	seq.s32 s7, s2  }
0x1e: {  	s7 =	smul.u32 @!p0 $0xF7A, s2;
	p2 =	seq.s32 @!p0 s5, $0x0  }
0x1f: {  	s9 =	smul.u32 $0xF7A, s1;
	s8 =	simm.s32 @!p0 $0x1BF5;
	p2 =	por !p2, p0  }
0x20: {  	[sflag:s8] =	ssyncset.s32 @!p0 $0xFFFFF086;
	s6 =	sadd.s32 @!p0 s3, s7;
	s7 =	simm.s32 @!p0 $0x108  }
0x21: {  	s3 =	sadd.s32 s3, s9;
	s6 =	sadd.s32 @!p0 $0x88, s6;
	s7 =	simm.s32 @p2 $0x1082  }
0x22: {  	[simem:s7], [sflag:s8] =	dma.local @!p0 [hbm:s6], $0xF7A  }
0x23: {  	s9 =	sor.u32 $0xD0000000, s2;
	s6 =	simm.s32 $0x108;
	_ =	swait.ge @!p0 [sflag:s8], $0x0  }
0x24: {  	s3 =	sadd.s32 $0x88, s3;
	s6 =	simm.s32 @!p1 $0x1082;
	[sflag:s4] =	ssyncset.s32 $0xFFFFF086  }
0x25: {  	[simem:s6], [sflag:s4] =	dma.local [hbm:s3], $0xF7A  }
0x26: {  	[smem:$0x3F8D] =	sst s1;
	(tag) =	ssettag s2;
	_ =	strace s9  }
0x27: {  	s1 =	sld [smem:$0x3F9D]  }
0x28: {  	s2 =	sld [smem:$0x3F9E]  }
0x29: {  	s4 =	sld [smem:$0x3FA0]  }
0x2a: {  	p0 =	seq.s32 s5, $0x0;
	s5 =	sld [smem:$0x3FA1]  }
0x2b: {  	s6 =	sld [smem:$0x3FA2]  }
0x2c: {  	s7 =	sld [smem:$0x3FA3]  }
0x2d: {  	s3 =	simm.s32 $0x108;
	s8 =	sld [smem:$0x3FA4]  }
0x2e: {  	s3 =	simm.s32 @!p0 $0x1082;
	s9 =	sld [smem:$0x3FA5]  }
0x2f: {  	lr =	sadd.s32 s0, s3;
	s0 =	sld [smem:$0x3F9C]  }
0x30: {  	s3 =	sld [smem:$0x3F9F]  }
0x31: {  	[smem:$0x3FA8] =	sst s10  }
0x32: {  	s10 =	sld [smem:$0x3FA6];
	_ =	sdelay $0x3  }
0x33: {  	p0 =	seq.s32 s10, $0x1;
	s10 =	sld [smem:$0x3FA8];
	_ =	sdelay $0x3  }
0x34: {  	[smem:$0x3FA8] =	sst s10  }
0x35: {  	s10 =	sld [smem:$0x3FA7];
	_ =	sdelay $0x3  }
0x36: {  	p1 =	seq.s32 s10, $0x1;
	s10 =	sld [smem:$0x3FA8];
	_ =	sdelay $0x3  }
0x37: {  	[smem:$0x3FA8] =	sst s10  }
0x38: {  	s10 =	sld [smem:$0x3FA9]  }
0x39: {  	_ = 	snop;
	(pc) =	sbr.ind lr, $3  }
0x3a: {  	_ = 	snop  }
0x3b: {  	_ = 	snop  }
0x3c: {  	p2 =	seq.s32 s10, $0x1;
	s10 =	sld [smem:$0x3FA8]  }
0x3d: {  	_ =	shalt  }
0x3e: {  	_ =	shalt  }
0x3f: {  	_ =	shalt  }
0x40: {  	_ =	shalt  }
0x41: {  	_ =	shalt  }
0x42: {  	_ =	shalt  }
0x43: {  	_ =	shalt  }
0x44: {  	_ =	shalt  }
0x45: {  	_ =	shalt  }
0x46: {  	_ =	shalt  }
0x47: {  	_ =	shalt  }
0x48: {  	_ =	shalt  }
0x49: {  	_ =	shalt  }
0x4a: {  	_ =	shalt  }
0x4b: {  	_ =	shalt  }
0x4c: {  	_ =	shalt  }
0x4d: {  	_ =	shalt  }
0x4e: {  	_ =	shalt  }
0x4f: {  	_ =	shalt  }
0x50: {  	_ =	shalt  }
0x51: {  	_ =	shalt  }
0x52: {  	_ =	shalt  }
0x53: {  	_ =	shalt  }
0x54: {  	_ =	shalt  }
0x55: {  	_ =	shalt  }
0x56: {  	_ =	shalt  }
0x57: {  	_ =	shalt  }
0x58: {  	_ =	shalt  }
0x59: {  	_ =	shalt  }
0x5a: {  	_ =	shalt  }
0x5b: {  	_ =	shalt  }
0x5c: {  	_ =	shalt  }
0x5d: {  	_ =	shalt  }
0x5e: {  	_ =	shalt  }
0x5f: {  	_ =	shalt  }
0x60: {  	_ =	shalt  }
0x61: {  	_ =	shalt  }
0x62: {  	_ =	shalt  }
0x63: {  	_ =	shalt  }
0x64: {  	_ =	shalt  }
0x65: {  	_ =	shalt  }
0x66: {  	_ =	shalt  }
0x67: {  	_ =	shalt  }
0x68: {  	_ =	shalt  }
0x69: {  	_ =	shalt  }
0x6a: {  	_ =	shalt  }
0x6b: {  	_ =	shalt  }
0x6c: {  	_ =	shalt  }
0x6d: {  	_ =	shalt  }
0x6e: {  	_ =	shalt  }
0x6f: {  	_ =	shalt  }
0x70: {  	_ =	shalt  }
0x71: {  	_ =	shalt  }
0x72: {  	_ =	shalt  }
0x73: {  	_ =	shalt  }
0x74: {  	_ =	shalt  }
0x75: {  	_ =	shalt  }
0x76: {  	_ =	shalt  }
0x77: {  	_ =	shalt  }
0x78: {  	_ =	shalt  }
0x79: {  	_ =	shalt  }
0x7a: {  	_ =	shalt  }
0x7b: {  	_ =	shalt  }
0x7c: {  	_ =	shalt  }
0x7d: {  	_ =	shalt  }
0x7e: {  	_ =	shalt  }
0x7f: {  	_ =	shalt  }
0x80: {  	_ =	shalt  }
0x81: {  	_ =	shalt  }
0x82: {  	_ =	shalt  }
0x83: {  	_ =	shalt  }
0x84: {  	_ =	shalt  }
0x85: {  	_ =	shalt  }
0x86: {  	_ =	shalt  }
0x87: {  	_ =	shalt  }
.Lfunc_end0:
.L_simem_size_0:
called_computation_lowered:
.L_overlay_start_0:
0x88: {  	s2 =	sld [smem:$0x3FD9]  }
0x89: {  	s3 =	sld [smem:$0x3FFE];
	_ =	sdelay $0x1  }
0x8a: {  	s1 =	srdreg.scid  }
0x8b: {  	s0 =	sand.u32 $0x1, s1  }
0x8c: {  	s17 =	sshll.u32 s0, $0xA;
	s2 =	sadd.s32 s3, s2  }
0x8d: {  	s2 =	sadd.s32 s2, s17  }
0x8e: {  	[smem:$0x3FB4] =	sst s2  }
0x8f: {  	_ = 	snop  }
0x90: {  	s2 =	sld [smem:$0x3FC9]  }
0x91: {  	s18 =	sld [smem:$0x3FD0];
	(tm) =	ssettm $0x1  }
0x92: {  	s4 =	sld [smem:$0x3FFB];
	_ =	sdelay $0x3  }
0x93: {  	_ =	strace s4  }
0x94: {  	s4 =	sld [smem:$0x3FFC];
	_ =	sdelay $0x3  }
0x95: {  	_ =	strace s4  }
0x96: {  	s4 =	sld [smem:$0x3FFD];
	_ =	sdelay $0x3  }
0x97: {  	_ =	strace s4  }
0x98: {  	_ =	strace $0x8FFFFFFF  }
0x99: {  	s19 =	sld [smem:$0x3FDB];
	_ =	sdelay $0x1  }
0x9a: {  	s5 =	simm.s32 $_scs_section_size  }
0x9b: {  	s6 =	simm.s32 $_size__tile_overlayer_lowered;
	s7 =	simm.s32 $_tile_overlayer_lowered  }
0x9c: {  	s22 =	simm.s32 $0x1BFF;
	s21 =	sshll.u32 s7, $0x1;
	s4 =	sadd.s32 s5, s19  }
0x9d: {  	s8 =	simm.s32 $0x0;
	s20 =	sshll.u32 s6, $0x1;
	s6 =	sadd.s32 s21, s4  }
0x9e: {  	[timem:s8], [sflag:s22] =	dma.local [hbm:s6], s20  }
0x9f: {  	_ =	swait.ge [sflag:s22], s20  }
0xa0: {  	s5 =	ssub.s32 $0x0, s20;
	[sflag:s22] =	ssyncset.done $0x0  }
0xa1: {  	[sflag:s22] =	ssyncadd.s32 s5;
	_ =	sdelay $0x1  }
0xa2: {  	s23 =	simm.s32 $0x1B8B  }
0xa3: {  	_ =	swait.ge [sflag:s23], $0x1  }
0xa4: {  	[sflag:s23] =	ssyncset.done $0x0  }
0xa5: {  	s25 =	simm.s32 $0x1B8E;
	s24 =	sld [smem:$0x3FFE];
	[sflag:s23] =	ssyncadd.s32 $0xFFFFFFFF  }
0xa6: {  	s26 =	simm.s32 $execute0_lowered;
	[smem:$0x3FD2] =	sst s25  }
0xa7: {  	s6 =	sshll.u32 s26, $0x1;
	_ =	strace $0x80000046;
	[dreg:$0x1] =	wrdreg $0xFFFFFFFF  }
0xa8: {  	s28 =	simm.s32 $_size_execute0_lowered;
	s4 =	sadd.s32 s4, s6;
	[dreg:$0x0] =	wrdreg $0x0  }
0xa9: {  	s6 =	sshll.u32 s28, $0x1;
	[dreg:$0x2] =	wrdreg s4  }
0xaa: {  	[dreg:$0x3] =	wrdreg s6  }
0xab: {  	[dreg:$0x4] =	wrdreg $0xC0  }
0xac: {  	_ =	task [dreg:s8], $0x5FFFF  }
0xad: {  	[dreg:$0x1] =	wrdreg $0xFFFFFFFF  }
0xae: {  	[dreg:$0x0] =	wrdreg $0x60  }
0xaf: {  	[dreg:$0x2] =	wrdreg s2  }
0xb0: {  	[dreg:$0x3] =	wrdreg s18  }
0xb1: {  	[dreg:$0x4] =	wrdreg s24  }
0xb2: {  	[dreg:$0x5] =	wrdreg $0x9  }
0xb3: {  	_ =	task.clear_ibuf [dreg:s8], $0x6FFFF;
	_ =	strace $0x90000046  }
0xb4: {  	s29 =	simm.s32 $0x9;
	_ =	strace $0x80000048  }
0xb5: {  	_ =	swait.ge [sflag:s29], $0x1  }
0xb6: {  	[sflag:s29] =	ssyncadd.s32 $0xFFFFFFFF  }
0xb7: {  	_ =	strace $0x90000048  }
0xb8: {  	_ =	sfence  }
0xb9: {  	s30 =	sld [smem:$0x0];
	_ =	sdelay $0x2  }
0xba: {  	s31 =	sshll.u32 s1, $0xD;
	s1 =	sshrl.u32 s1, $0x2  }
0xbb: {  	s3 =	sand.u32 $0x4000, s31;
	s1 =	sadd.s32 s1, s30  }
0xbc: {  	s0 =	sor.u32 s3, s0;
	s1 =	sshll.u32 s1, $0x11  }
0xbd: {  	s0 =	sor.u32 s1, s0  }
0xbe: {  	s0 =	sadd.s32 $0x8F2B, s0  }
0xbf: {  	[sflag:s0] =	ssyncadd.remote.s32 $0x1  }
0xc0: {  	_ =	sfence.sel $0xFFFF  }
0xc1: {  	[dreg:$0x0] =	wrdreg $0xFFFFFFFF;
	(pc) =	sbr.abs _section_cstart, $3  }
0xc2: {  	[dreg:$0x1] =	wrdreg $0xFFFFFFFF  }
0xc3: {  	_ =	task.clear_ibuf [dreg:s8], $0x2FFFF;
	_ =	strace $0x9FFFFFFF  }
0xc4: {  	(tm) =	ssettm $0x7FFFFFFF  }
0xc5: {  	_ =	shalt  }
tec
execute0_lowered:
.L_overlay_start_1:
0x0: {  	(tag) =	ssettag $0x1  }
0x1: {  	s1 =	srdreg.scid;
	s21 =	stileid.u32  }
0x2: {  	s1 =	sand.u32 $0x1, s1;
	s5 =	sshll.u32 s21, $0x1  }
0x3: {  	s5 =	sor.u32 s1, s5  }
0x4: {  	p0 =	sgt.u32 s5, $0x18  }
.Ltmp0:
0x5: {  	s3 =	rddreg [dreg:$0x0];
	(pc) =	sbr.rel @p0 .LBB2_8-.Ltmp0, $4  }
0x6: {  	s0 =	rddreg [dreg:$0x1]  }
0x7: {  	s4 =	rddreg [dreg:$0x2];
	s2 =	simm.s32 $0x0  }
0x8: {  	[smem:$0x7FF] =	sst s2  }
0x9: {  	s6 =	rddreg [dreg:$0x3];
	_ =	strace $0x80000047  }
0xa: {  	s6 =	sshll.u32 s5, $0xD;
	s10 =	sshll.u32 s5, $0x1  }
0xb: {  	s11 =	simm.s32 $0x880;
	s12 =	simm.s32 $0x1080;
	s5 =	sadd.s32 $0x200, s3  }
0xc: {  	s13 =	simm.s32 $0x1880;
	s14 =	simm.s32 $0x2080;
	s7 =	sadd.s32 $0x400, s3  }
0xd: {  	s15 =	simm.s32 $0x2880;
	s8 =	sadd.s32 $0x500, s3;
	[dreg:$0x6] =	wrdreg s11  }
0xe: {  	s16 =	simm.s32 $0x3080;
	s9 =	sadd.s32 $0x600, s3;
	[dreg:$0x7] =	wrdreg s12  }
0xf: {  	s17 =	simm.s32 $0x3880;
	s18 =	simm.s32 $0x4080;
	[dreg:$0x8] =	wrdreg s13  }
0x10: {  	s19 =	simm.s32 $0x4880;
	s20 =	simm.s32 $0x5080;
	[dreg:$0x9] =	wrdreg s14  }
0x11: {  	s22 =	simm.s32 $0x5880;
	s23 =	simm.s32 $0x6080;
	[dreg:$0xa] =	wrdreg s15  }
0x12: {  	s24 =	simm.s32 $0x6880;
	s25 =	simm.s32 $0x7080;
	[dreg:$0xb] =	wrdreg s16  }
0x13: {  	s26 =	simm.s32 $0x7880;
	s1 =	ssub.s32 $0x2, s1;
	[dreg:$0xc] =	wrdreg s17  }
0x14: {  	s28 =	simm.s32 $0xE080;
	s29 =	simm.s32 $0xE880;
	[dreg:$0xd] =	wrdreg s18  }
0x15: {  	s31 =	simm.s32 $0xF080;
	p0 =	por $0x0, $0x0;
	[dreg:$0xe] =	wrdreg s19  }
0x16: {  	s30 =	simm.s32 $0x1;
	s4 =	sadd.s32 s6, s4;
	[dreg:$0xf] =	wrdreg s20  }
0x17: {  	s0 =	sadd.s32 s0, s10;
	s6 =	sadd.s32 $0x300, s3;
	[dreg:$0x10] =	wrdreg s22  }
0x18: {  	s10 =	sadd.s32 $0x700, s3;
	s11 =	sadd.s32 $0x800, s3;
	[dreg:$0x11] =	wrdreg s23  }
0x19: {  	s12 =	sadd.s32 $0x900, s3;
	s13 =	sadd.s32 $0xA00, s3;
	[dreg:$0x12] =	wrdreg s24  }
0x1a: {  	s14 =	sadd.s32 $0xB00, s3;
	s15 =	sadd.s32 $0xC00, s3;
	[dreg:$0x13] =	wrdreg s25  }
0x1b: {  	s16 =	sadd.s32 $0xD00, s3;
	s17 =	sadd.s32 $0xE00, s3;
	[dreg:$0x14] =	wrdreg s26  }
0x1c: {  	s18 =	sadd.s32 $0xF00, s3;
	s19 =	simm.s32 $0x8080;
	[dreg:$0x5] =	wrdreg s0  }
0x1d: {  	s20 =	simm.s32 $0x8880;
	s22 =	simm.s32 $0x9080;
	[dreg:$0x15] =	wrdreg s19  }
0x1e: {  	s23 =	simm.s32 $0x9880;
	s19 =	sshrl.u32 s1, $0x1;
	[dreg:$0x16] =	wrdreg s20  }
0x1f: {  	s24 =	simm.s32 $0xA080;
	[dreg:$0x17] =	wrdreg s22;
	s1 =	ssub.s32 s1, s19  }
0x20: {  	s25 =	simm.s32 $0xA880;
	[dreg:$0x18] =	wrdreg s23;
	s1 =	smax.u32 s1, $0x1  }
0x21: {  	s26 =	simm.s32 $0xB080;
	[dreg:$0x19] =	wrdreg s24;
	p1 =	sne.s32 s1, $0x1  }
.Ltmp1:
0x22: {  	s4 =	sadd.s32 $0x100E00, s4;
	[dreg:$0x1a] =	wrdreg s25;
	(pc) =	sbr.rel @!p1 .LBB2_2-.Ltmp1, $4  }
0x23: {  	s20 =	simm.s32 $0x80;
	[dreg:$0x1b] =	wrdreg s26;
	s23 =	simm.s32 $0xC080  }
0x24: {  	v1 =	vlaneseq.u32;
	s24 =	simm.s32 $0xC880;
	s25 =	simm.s32 $0xD080;
	s26 =	simm.s32 $0xD880  }
0x25: {  	vm0 =	vmmov $0xffff;
	v0 =	vshrl.u32 v1, $0x3;
	s22 =	simm.s32 $0xF880;
	[dreg:$0x4] =	wrdreg s4;
	s4 =	sadd.s32 $0x100, s3  }
0x26: {  	v2 =	vand.u32 $0x7, v1;
	v1 =	vor.u32 $0x8, v1;
	v0 =	vmul.u32 $0x8, v0;
	s19 =	simm.s32 $0x2;
	s0 =	rddreg [dreg:$0x5];
	s1 =	sadd.s32 $0xFFFFFFFF, s1  }
0x27: {  	[tilespmem:s2], [sflag:$0x2] =	stream.linear.gather [hbm4b:s0+s2], $0x10, $0x38;
	[tilespmem:$0x10080] =	vst v63  }
0x28: {  	_ =	swait.ge [sflag:s19], $0x10  }
0x29: {  	[sflag:s19] =	ssyncset.done $0x0  }
0x2a: {  	[sflag:s19] =	ssyncadd.s32 $0xFFFFFFF0  }
0x2b: {  	v3 =	vld [tilespmem:$0x0];
	_ =	sdelay $0x4  }
0x2c: {  	v4 =	vshll.u32 v3, $0x5  }
0x2d: {  	v3 =	vand.u32 $0x7, v3;
	v4 =	vand.u32 $0xFFFFFF00, v4  }
0x2e: {  	v3 =	vor.u32 v3, v4  }
0x2f: {  	v4 =	vperm.xlane v3, v2;
	_ =	sdelay $0x1  }
0x30: {  	v4 =	vadd.s32 v0, v4;
	_ =	sdelay $0x4  }
0x31: {  	[tilespmem:s20], [sflag:$0x1] =	stream.indirect_vreg.gather [hbm4b:s3+s2], $0x80, v4, vm0, $0xb8;
	[tilespmem:$0x10080] =	vst v63  }
0x32: {  	s0 =	rddreg [dreg:$0x6]  }
0x33: {  	[tilespmem:s0], [sflag:$0x1] =	stream.indirect_vreg.gather [hbm4b:s4+s2], $0x80, v4, vm0, $0xb8;
	[tilespmem:$0x10080] =	vst v63  }
0x34: {  	s21 =	smov.u32 s1;
	s1 =	rddreg [dreg:$0x7]  }
0x35: {  	[tilespmem:s1], [sflag:$0x1] =	stream.indirect_vreg.gather [hbm4b:s5+s2], $0x80, v4, vm0, $0xb8;
	[tilespmem:$0x10080] =	vst v63  }
0x36: {  	s0 =	rddreg [dreg:$0x8]  }
0x37: {  	[tilespmem:s0], [sflag:$0x1] =	stream.indirect_vreg.gather [hbm4b:s6+s2], $0x80, v4, vm0, $0xb8;
	[tilespmem:$0x10080] =	vst v63  }
0x38: {  	s1 =	rddreg [dreg:$0x9]  }
0x39: {  	[tilespmem:s1], [sflag:$0x1] =	stream.indirect_vreg.gather [hbm4b:s7+s2], $0x80, v4, vm0, $0xb8;
	[tilespmem:$0x10080] =	vst v63  }
0x3a: {  	s0 =	rddreg [dreg:$0xa]  }
0x3b: {  	[tilespmem:s0], [sflag:$0x1] =	stream.indirect_vreg.gather [hbm4b:s8+s2], $0x80, v4, vm0, $0xb8;
	[tilespmem:$0x10080] =	vst v63  }
0x3c: {  	s1 =	rddreg [dreg:$0xb]  }
0x3d: {  	[tilespmem:s1], [sflag:$0x1] =	stream.indirect_vreg.gather [hbm4b:s9+s2], $0x80, v4, vm0, $0xb8;
	[tilespmem:$0x10080] =	vst v63  }
0x3e: {  	s0 =	rddreg [dreg:$0xc]  }
0x3f: {  	[tilespmem:s0], [sflag:$0x1] =	stream.indirect_vreg.gather [hbm4b:s10+s2], $0x80, v4, vm0, $0xb8;
	[tilespmem:$0x10080] =	vst v63  }
0x40: {  	s1 =	rddreg [dreg:$0xd]  }
0x41: {  	[tilespmem:s1], [sflag:$0x1] =	stream.indirect_vreg.gather [hbm4b:s11+s2], $0x80, v4, vm0, $0xb8;
	[tilespmem:$0x10080] =	vst v63  }
0x42: {  	s0 =	rddreg [dreg:$0xe]  }
0x43: {  	[tilespmem:s0], [sflag:$0x1] =	stream.indirect_vreg.gather [hbm4b:s12+s2], $0x80, v4, vm0, $0xb8;
	[tilespmem:$0x10080] =	vst v63  }
0x44: {  	s1 =	rddreg [dreg:$0xf]  }
0x45: {  	[tilespmem:s1], [sflag:$0x1] =	stream.indirect_vreg.gather [hbm4b:s13+s2], $0x80, v4, vm0, $0xb8;
	[tilespmem:$0x10080] =	vst v63  }
0x46: {  	s0 =	rddreg [dreg:$0x10]  }
0x47: {  	[tilespmem:s0], [sflag:$0x1] =	stream.indirect_vreg.gather [hbm4b:s14+s2], $0x80, v4, vm0, $0xb8;
	[tilespmem:$0x10080] =	vst v63  }
0x48: {  	s1 =	rddreg [dreg:$0x11]  }
0x49: {  	[tilespmem:s1], [sflag:$0x1] =	stream.indirect_vreg.gather [hbm4b:s15+s2], $0x80, v4, vm0, $0xb8;
	[tilespmem:$0x10080] =	vst v63  }
0x4a: {  	v3 =	vperm.xlane v3, v1;
	s0 =	rddreg [dreg:$0x12]  }
0x4b: {  	[tilespmem:s0], [sflag:$0x1] =	stream.indirect_vreg.gather [hbm4b:s16+s2], $0x80, v4, vm0, $0xb8;
	[tilespmem:$0x10080] =	vst v63  }
0x4c: {  	v3 =	vadd.s32 v0, v3;
	s1 =	rddreg [dreg:$0x13]  }
0x4d: {  	[tilespmem:s1], [sflag:$0x1] =	stream.indirect_vreg.gather [hbm4b:s17+s2], $0x80, v4, vm0, $0xb8;
	[tilespmem:$0x10080] =	vst v63  }
0x4e: {  	s0 =	rddreg [dreg:$0x14]  }
0x4f: {  	[tilespmem:s0], [sflag:$0x1] =	stream.indirect_vreg.gather [hbm4b:s18+s2], $0x80, v4, vm0, $0xb8;
	[tilespmem:$0x10080] =	vst v63  }
0x50: {  	s1 =	rddreg [dreg:$0x15]  }
0x51: {  	[tilespmem:s1], [sflag:$0x1] =	stream.indirect_vreg.gather [hbm4b:s3+s2], $0x80, v3, vm0, $0xb8;
	[tilespmem:$0x10080] =	vst v63  }
0x52: {  	s0 =	rddreg [dreg:$0x16]  }
0x53: {  	[tilespmem:s0], [sflag:$0x1] =	stream.indirect_vreg.gather [hbm4b:s4+s2], $0x80, v3, vm0, $0xb8;
	[tilespmem:$0x10080] =	vst v63  }
0x54: {  	s1 =	rddreg [dreg:$0x17]  }
0x55: {  	[tilespmem:s1], [sflag:$0x1] =	stream.indirect_vreg.gather [hbm4b:s5+s2], $0x80, v3, vm0, $0xb8;
	[tilespmem:$0x10080] =	vst v63  }
0x56: {  	s0 =	rddreg [dreg:$0x18]  }
0x57: {  	[tilespmem:s0], [sflag:$0x1] =	stream.indirect_vreg.gather [hbm4b:s6+s2], $0x80, v3, vm0, $0xb8;
	[tilespmem:$0x10080] =	vst v63  }
0x58: {  	s1 =	rddreg [dreg:$0x19]  }
0x59: {  	[tilespmem:s1], [sflag:$0x1] =	stream.indirect_vreg.gather [hbm4b:s7+s2], $0x80, v3, vm0, $0xb8;
	[tilespmem:$0x10080] =	vst v63  }
0x5a: {  	s0 =	rddreg [dreg:$0x1a]  }
0x5b: {  	[tilespmem:s0], [sflag:$0x1] =	stream.indirect_vreg.gather [hbm4b:s8+s2], $0x80, v3, vm0, $0xb8;
	[tilespmem:$0x10080] =	vst v63  }
0x5c: {  	s1 =	rddreg [dreg:$0x1b]  }
0x5d: {  	[tilespmem:s1], [sflag:$0x1] =	stream.indirect_vreg.gather [hbm4b:s9+s2], $0x80, v3, vm0, $0xb8;
	[tilespmem:$0x10080] =	vst v63  }
0x5e: {  	s1 =	simm.s32 $0xB880  }
0x5f: {  	[tilespmem:s1], [sflag:$0x1] =	stream.indirect_vreg.gather [hbm4b:s10+s2], $0x80, v3, vm0, $0xb8;
	[tilespmem:$0x10080] =	vst v63  }
0x60: {  	_ = 	snop  }
0x61: {  	[tilespmem:s23], [sflag:$0x1] =	stream.indirect_vreg.gather [hbm4b:s11+s2], $0x80, v3, vm0, $0xb8;
	[tilespmem:$0x10080] =	vst v63  }
0x62: {  	_ = 	snop  }
0x63: {  	[tilespmem:s24], [sflag:$0x1] =	stream.indirect_vreg.gather [hbm4b:s12+s2], $0x80, v3, vm0, $0xb8;
	[tilespmem:$0x10080] =	vst v63  }
0x64: {  	_ = 	snop  }
0x65: {  	[tilespmem:s25], [sflag:$0x1] =	stream.indirect_vreg.gather [hbm4b:s13+s2], $0x80, v3, vm0, $0xb8;
	[tilespmem:$0x10080] =	vst v63  }
0x66: {  	_ = 	snop  }
0x67: {  	[tilespmem:s26], [sflag:$0x1] =	stream.indirect_vreg.gather [hbm4b:s14+s2], $0x80, v3, vm0, $0xb8;
	[tilespmem:$0x10080] =	vst v63  }
0x68: {  	_ = 	snop  }
0x69: {  	[tilespmem:s28], [sflag:$0x1] =	stream.indirect_vreg.gather [hbm4b:s15+s2], $0x80, v3, vm0, $0xb8;
	[tilespmem:$0x10080] =	vst v63  }
0x6a: {  	_ = 	snop  }
0x6b: {  	[tilespmem:s29], [sflag:$0x1] =	stream.indirect_vreg.gather [hbm4b:s16+s2], $0x80, v3, vm0, $0xb8;
	[tilespmem:$0x10080] =	vst v63  }
0x6c: {  	_ = 	snop  }
0x6d: {  	[tilespmem:s31], [sflag:$0x1] =	stream.indirect_vreg.gather [hbm4b:s17+s2], $0x80, v3, vm0, $0xb8;
	[tilespmem:$0x10080] =	vst v63  }
0x6e: {  	_ = 	snop  }
0x6f: {  	[tilespmem:s22], [sflag:$0x1] =	stream.indirect_vreg.gather [hbm4b:s18+s2], $0x80, v3, vm0, $0xb8;
	[tilespmem:$0x10080] =	vst v63  }
0x70: {  	p1 =	sne.s32 s21, $0x1;
	_ =	swait.ge [sflag:s30], $0x10000  }
.Ltmp2:
0x71: {  	[sflag:s30] =	ssyncset.done $0x0;
	(pc) =	sbr.rel @!p1 .LBB2_4-.Ltmp2, $4  }
0x72: {  	s1 =	rddreg [dreg:$0x4];
	[sflag:s30] =	ssyncadd.s32 $0xFFFF0000  }
0x73: {  	[hbm4b:s1+s2] =	stream.linear.scatter [tilespmem:s20], [sflag:$0x2], $0x10000, $0x38;
	[tilespmem:$0x10080] =	vst v63  }
0x74: {  	p0 =	por $0x1, $0x1;
	_ =	swait.ge [sflag:s19], $0x10000  }
0x75: {  	s1 =	sadd.s32 $0xFFFFFFFF, s21;
	s0 =	rddreg [dreg:$0x5];
	[sflag:s19] =	ssyncset.done $0x0  }
.LBB2_5:
0x76: {  	[sflag:s19] =	ssyncadd.s32 $0xFFFF0000  }
0x77: {  	[tilespmem:s2], [sflag:$0x2] =	stream.linear.gather [hbm4b:s0+s2], $0x10, $0x38;
	[tilespmem:$0x10080] =	vst v63  }
0x78: {  	_ =	swait.ge [sflag:s19], $0x10  }
0x79: {  	[sflag:s19] =	ssyncset.done $0x0  }
0x7a: {  	[sflag:s19] =	ssyncadd.s32 $0xFFFFFFF0  }
0x7b: {  	v3 =	vld [tilespmem:$0x0];
	_ =	sdelay $0x4  }
0x7c: {  	v4 =	vshll.u32 v3, $0x5  }
0x7d: {  	v3 =	vand.u32 $0x7, v3;
	v4 =	vand.u32 $0xFFFFFF00, v4  }
0x7e: {  	v3 =	vor.u32 v3, v4  }
0x7f: {  	v4 =	vperm.xlane v3, v2;
	_ =	sdelay $0x1  }
0x80: {  	v4 =	vadd.s32 v0, v4;
	_ =	sdelay $0x4  }
0x81: {  	[tilespmem:s20], [sflag:$0x1] =	stream.indirect_vreg.gather [hbm4b:s3+s2], $0x80, v4, vm0, $0xb8;
	[tilespmem:$0x10080] =	vst v63  }
0x82: {  	s0 =	rddreg [dreg:$0x6]  }
0x83: {  	[tilespmem:s0], [sflag:$0x1] =	stream.indirect_vreg.gather [hbm4b:s4+s2], $0x80, v4, vm0, $0xb8;
	[tilespmem:$0x10080] =	vst v63  }
0x84: {  	s21 =	rddreg [dreg:$0x7]  }
0x85: {  	[tilespmem:s21], [sflag:$0x1] =	stream.indirect_vreg.gather [hbm4b:s5+s2], $0x80, v4, vm0, $0xb8;
	[tilespmem:$0x10080] =	vst v63  }
0x86: {  	s0 =	rddreg [dreg:$0x8]  }
0x87: {  	[tilespmem:s0], [sflag:$0x1] =	stream.indirect_vreg.gather [hbm4b:s6+s2], $0x80, v4, vm0, $0xb8;
	[tilespmem:$0x10080] =	vst v63  }
0x88: {  	s21 =	rddreg [dreg:$0x9]  }
0x89: {  	[tilespmem:s21], [sflag:$0x1] =	stream.indirect_vreg.gather [hbm4b:s7+s2], $0x80, v4, vm0, $0xb8;
	[tilespmem:$0x10080] =	vst v63  }
0x8a: {  	s0 =	rddreg [dreg:$0xa]  }
0x8b: {  	[tilespmem:s0], [sflag:$0x1] =	stream.indirect_vreg.gather [hbm4b:s8+s2], $0x80, v4, vm0, $0xb8;
	[tilespmem:$0x10080] =	vst v63  }
0x8c: {  	s21 =	rddreg [dreg:$0xb]  }
0x8d: {  	[tilespmem:s21], [sflag:$0x1] =	stream.indirect_vreg.gather [hbm4b:s9+s2], $0x80, v4, vm0, $0xb8;
	[tilespmem:$0x10080] =	vst v63  }
0x8e: {  	s0 =	rddreg [dreg:$0xc]  }
0x8f: {  	[tilespmem:s0], [sflag:$0x1] =	stream.indirect_vreg.gather [hbm4b:s10+s2], $0x80, v4, vm0, $0xb8;
	[tilespmem:$0x10080] =	vst v63  }
0x90: {  	s21 =	rddreg [dreg:$0xd]  }
0x91: {  	[tilespmem:s21], [sflag:$0x1] =	stream.indirect_vreg.gather [hbm4b:s11+s2], $0x80, v4, vm0, $0xb8;
	[tilespmem:$0x10080] =	vst v63  }
0x92: {  	s0 =	rddreg [dreg:$0xe]  }
0x93: {  	[tilespmem:s0], [sflag:$0x1] =	stream.indirect_vreg.gather [hbm4b:s12+s2], $0x80, v4, vm0, $0xb8;
	[tilespmem:$0x10080] =	vst v63  }
0x94: {  	s21 =	rddreg [dreg:$0xf]  }
0x95: {  	[tilespmem:s21], [sflag:$0x1] =	stream.indirect_vreg.gather [hbm4b:s13+s2], $0x80, v4, vm0, $0xb8;
	[tilespmem:$0x10080] =	vst v63  }
0x96: {  	s0 =	rddreg [dreg:$0x10]  }
0x97: {  	[tilespmem:s0], [sflag:$0x1] =	stream.indirect_vreg.gather [hbm4b:s14+s2], $0x80, v4, vm0, $0xb8;
	[tilespmem:$0x10080] =	vst v63  }
0x98: {  	s21 =	rddreg [dreg:$0x11]  }
0x99: {  	[tilespmem:s21], [sflag:$0x1] =	stream.indirect_vreg.gather [hbm4b:s15+s2], $0x80, v4, vm0, $0xb8;
	[tilespmem:$0x10080] =	vst v63  }
0x9a: {  	v3 =	vperm.xlane v3, v1;
	s0 =	rddreg [dreg:$0x12]  }
0x9b: {  	[tilespmem:s0], [sflag:$0x1] =	stream.indirect_vreg.gather [hbm4b:s16+s2], $0x80, v4, vm0, $0xb8;
	[tilespmem:$0x10080] =	vst v63  }
0x9c: {  	v3 =	vadd.s32 v0, v3;
	s21 =	rddreg [dreg:$0x13]  }
0x9d: {  	[tilespmem:s21], [sflag:$0x1] =	stream.indirect_vreg.gather [hbm4b:s17+s2], $0x80, v4, vm0, $0xb8;
	[tilespmem:$0x10080] =	vst v63  }
0x9e: {  	s0 =	rddreg [dreg:$0x14]  }
0x9f: {  	[tilespmem:s0], [sflag:$0x1] =	stream.indirect_vreg.gather [hbm4b:s18+s2], $0x80, v4, vm0, $0xb8;
	[tilespmem:$0x10080] =	vst v63  }
0xa0: {  	s21 =	rddreg [dreg:$0x15]  }
0xa1: {  	[tilespmem:s21], [sflag:$0x1] =	stream.indirect_vreg.gather [hbm4b:s3+s2], $0x80, v3, vm0, $0xb8;
	[tilespmem:$0x10080] =	vst v63  }
0xa2: {  	s0 =	rddreg [dreg:$0x16]  }
0xa3: {  	[tilespmem:s0], [sflag:$0x1] =	stream.indirect_vreg.gather [hbm4b:s4+s2], $0x80, v3, vm0, $0xb8;
	[tilespmem:$0x10080] =	vst v63  }
0xa4: {  	s21 =	rddreg [dreg:$0x17]  }
0xa5: {  	[tilespmem:s21], [sflag:$0x1] =	stream.indirect_vreg.gather [hbm4b:s5+s2], $0x80, v3, vm0, $0xb8;
	[tilespmem:$0x10080] =	vst v63  }
0xa6: {  	s0 =	rddreg [dreg:$0x18]  }
0xa7: {  	[tilespmem:s0], [sflag:$0x1] =	stream.indirect_vreg.gather [hbm4b:s6+s2], $0x80, v3, vm0, $0xb8;
	[tilespmem:$0x10080] =	vst v63  }
0xa8: {  	s21 =	rddreg [dreg:$0x19]  }
0xa9: {  	[tilespmem:s21], [sflag:$0x1] =	stream.indirect_vreg.gather [hbm4b:s7+s2], $0x80, v3, vm0, $0xb8;
	[tilespmem:$0x10080] =	vst v63  }
0xaa: {  	s0 =	rddreg [dreg:$0x1a]  }
0xab: {  	[tilespmem:s0], [sflag:$0x1] =	stream.indirect_vreg.gather [hbm4b:s8+s2], $0x80, v3, vm0, $0xb8;
	[tilespmem:$0x10080] =	vst v63  }
0xac: {  	s21 =	rddreg [dreg:$0x1b]  }
0xad: {  	[tilespmem:s21], [sflag:$0x1] =	stream.indirect_vreg.gather [hbm4b:s9+s2], $0x80, v3, vm0, $0xb8;
	[tilespmem:$0x10080] =	vst v63  }
0xae: {  	s21 =	simm.s32 $0xB880  }
0xaf: {  	[tilespmem:s21], [sflag:$0x1] =	stream.indirect_vreg.gather [hbm4b:s10+s2], $0x80, v3, vm0, $0xb8;
	[tilespmem:$0x10080] =	vst v63  }
0xb0: {  	_ = 	snop  }
0xb1: {  	[tilespmem:s23], [sflag:$0x1] =	stream.indirect_vreg.gather [hbm4b:s11+s2], $0x80, v3, vm0, $0xb8;
	[tilespmem:$0x10080] =	vst v63  }
0xb2: {  	_ = 	snop  }
0xb3: {  	[tilespmem:s24], [sflag:$0x1] =	stream.indirect_vreg.gather [hbm4b:s12+s2], $0x80, v3, vm0, $0xb8;
	[tilespmem:$0x10080] =	vst v63  }
0xb4: {  	_ = 	snop  }
0xb5: {  	[tilespmem:s25], [sflag:$0x1] =	stream.indirect_vreg.gather [hbm4b:s13+s2], $0x80, v3, vm0, $0xb8;
	[tilespmem:$0x10080] =	vst v63  }
0xb6: {  	_ = 	snop  }
0xb7: {  	[tilespmem:s26], [sflag:$0x1] =	stream.indirect_vreg.gather [hbm4b:s14+s2], $0x80, v3, vm0, $0xb8;
	[tilespmem:$0x10080] =	vst v63  }
0xb8: {  	_ = 	snop  }
0xb9: {  	[tilespmem:s28], [sflag:$0x1] =	stream.indirect_vreg.gather [hbm4b:s15+s2], $0x80, v3, vm0, $0xb8;
	[tilespmem:$0x10080] =	vst v63  }
0xba: {  	_ = 	snop  }
0xbb: {  	[tilespmem:s29], [sflag:$0x1] =	stream.indirect_vreg.gather [hbm4b:s16+s2], $0x80, v3, vm0, $0xb8;
	[tilespmem:$0x10080] =	vst v63  }
0xbc: {  	_ = 	snop  }
0xbd: {  	[tilespmem:s31], [sflag:$0x1] =	stream.indirect_vreg.gather [hbm4b:s17+s2], $0x80, v3, vm0, $0xb8;
	[tilespmem:$0x10080] =	vst v63  }
0xbe: {  	_ = 	snop  }
0xbf: {  	[tilespmem:s22], [sflag:$0x1] =	stream.indirect_vreg.gather [hbm4b:s18+s2], $0x80, v3, vm0, $0xb8;
	[tilespmem:$0x10080] =	vst v63  }
0xc0: {  	p1 =	sne.s32 s1, $0x1;
	_ =	swait.ge [sflag:s30], $0x10000  }
.Ltmp3:
0xc1: {  	[sflag:s30] =	ssyncset.done $0x0;
	(pc) =	sbr.rel @p1 .LBB2_5-.Ltmp3, $4  }
0xc2: {  	s21 =	rddreg [dreg:$0x4];
	[sflag:s30] =	ssyncadd.s32 $0xFFFF0000  }
0xc3: {  	[hbm4b:s21+s2] =	stream.linear.scatter [tilespmem:s20], [sflag:$0x2], $0x10000, $0x38;
	[tilespmem:$0x10080] =	vst v63  }
0xc4: {  	_ =	swait.ge [sflag:s19], $0x10000  }
0xc5: {  	s1 =	sadd.s32 $0xFFFFFFFF, s1;
	s0 =	rddreg [dreg:$0x5];
	[sflag:s19] =	ssyncset.done $0x0  }
0xc6: {  	s31 =	simm.s32 $0xF080;
	s29 =	simm.s32 $0xE880;
	s28 =	simm.s32 $0xE080  }
0xc7: {  	s26 =	simm.s32 $0xD880;
	s25 =	simm.s32 $0xD080;
	s24 =	simm.s32 $0xC880  }
0xc8: {  	s23 =	simm.s32 $0xC080;
	s22 =	simm.s32 $0xB880;
	s21 =	stileid.u32  }
.LBB2_7:
0xc9: {  	[sflag:s19] =	ssyncadd.s32 @p0 $0xFFFF0000  }
0xca: {  	[tilespmem:s2], [sflag:$0x2] =	stream.linear.gather [hbm4b:s0+s2], $0x10, $0x38;
	[tilespmem:$0x10080] =	vst v63  }
0xcb: {  	_ =	swait.ge [sflag:s19], $0x10  }
0xcc: {  	[sflag:s19] =	ssyncset.done $0x0  }
0xcd: {  	[sflag:s19] =	ssyncadd.s32 $0xFFFFFFF0  }
0xce: {  	v3 =	vld [tilespmem:$0x0];
	_ =	sdelay $0x4  }
0xcf: {  	v4 =	vshll.u32 v3, $0x5  }
0xd0: {  	v3 =	vand.u32 $0x7, v3;
	v4 =	vand.u32 $0xFFFFFF00, v4  }
0xd1: {  	v3 =	vor.u32 v3, v4  }
0xd2: {  	v2 =	vperm.xlane v3, v2;
	_ =	sdelay $0x1  }
0xd3: {  	v2 =	vadd.s32 v0, v2;
	_ =	sdelay $0x4  }
0xd4: {  	[tilespmem:s20], [sflag:$0x1] =	stream.indirect_vreg.gather [hbm4b:s3+s2], $0x80, v2, vm0, $0xb8;
	[tilespmem:$0x10080] =	vst v63  }
0xd5: {  	s0 =	rddreg [dreg:$0x6]  }
0xd6: {  	[tilespmem:s0], [sflag:$0x1] =	stream.indirect_vreg.gather [hbm4b:s4+s2], $0x80, v2, vm0, $0xb8;
	[tilespmem:$0x10080] =	vst v63  }
0xd7: {  	s1 =	rddreg [dreg:$0x7]  }
0xd8: {  	[tilespmem:s1], [sflag:$0x1] =	stream.indirect_vreg.gather [hbm4b:s5+s2], $0x80, v2, vm0, $0xb8;
	[tilespmem:$0x10080] =	vst v63  }
0xd9: {  	s0 =	rddreg [dreg:$0x8]  }
0xda: {  	[tilespmem:s0], [sflag:$0x1] =	stream.indirect_vreg.gather [hbm4b:s6+s2], $0x80, v2, vm0, $0xb8;
	[tilespmem:$0x10080] =	vst v63  }
0xdb: {  	s1 =	rddreg [dreg:$0x9]  }
0xdc: {  	[tilespmem:s1], [sflag:$0x1] =	stream.indirect_vreg.gather [hbm4b:s7+s2], $0x80, v2, vm0, $0xb8;
	[tilespmem:$0x10080] =	vst v63  }
0xdd: {  	s0 =	rddreg [dreg:$0xa]  }
0xde: {  	[tilespmem:s0], [sflag:$0x1] =	stream.indirect_vreg.gather [hbm4b:s8+s2], $0x80, v2, vm0, $0xb8;
	[tilespmem:$0x10080] =	vst v63  }
0xdf: {  	s1 =	rddreg [dreg:$0xb]  }
0xe0: {  	[tilespmem:s1], [sflag:$0x1] =	stream.indirect_vreg.gather [hbm4b:s9+s2], $0x80, v2, vm0, $0xb8;
	[tilespmem:$0x10080] =	vst v63  }
0xe1: {  	s0 =	rddreg [dreg:$0xc]  }
0xe2: {  	[tilespmem:s0], [sflag:$0x1] =	stream.indirect_vreg.gather [hbm4b:s10+s2], $0x80, v2, vm0, $0xb8;
	[tilespmem:$0x10080] =	vst v63  }
0xe3: {  	s1 =	rddreg [dreg:$0xd]  }
0xe4: {  	[tilespmem:s1], [sflag:$0x1] =	stream.indirect_vreg.gather [hbm4b:s11+s2], $0x80, v2, vm0, $0xb8;
	[tilespmem:$0x10080] =	vst v63  }
0xe5: {  	s0 =	rddreg [dreg:$0xe]  }
0xe6: {  	[tilespmem:s0], [sflag:$0x1] =	stream.indirect_vreg.gather [hbm4b:s12+s2], $0x80, v2, vm0, $0xb8;
	[tilespmem:$0x10080] =	vst v63  }
0xe7: {  	s1 =	rddreg [dreg:$0xf]  }
0xe8: {  	[tilespmem:s1], [sflag:$0x1] =	stream.indirect_vreg.gather [hbm4b:s13+s2], $0x80, v2, vm0, $0xb8;
	[tilespmem:$0x10080] =	vst v63  }
0xe9: {  	s0 =	rddreg [dreg:$0x10]  }
0xea: {  	[tilespmem:s0], [sflag:$0x1] =	stream.indirect_vreg.gather [hbm4b:s14+s2], $0x80, v2, vm0, $0xb8;
	[tilespmem:$0x10080] =	vst v63  }
0xeb: {  	s1 =	rddreg [dreg:$0x11]  }
0xec: {  	[tilespmem:s1], [sflag:$0x1] =	stream.indirect_vreg.gather [hbm4b:s15+s2], $0x80, v2, vm0, $0xb8;
	[tilespmem:$0x10080] =	vst v63  }
0xed: {  	v1 =	vperm.xlane v3, v1;
	s0 =	rddreg [dreg:$0x12]  }
0xee: {  	[tilespmem:s0], [sflag:$0x1] =	stream.indirect_vreg.gather [hbm4b:s16+s2], $0x80, v2, vm0, $0xb8;
	[tilespmem:$0x10080] =	vst v63  }
0xef: {  	v63 =	vadd.s32 v0, v1;
	s1 =	rddreg [dreg:$0x13]  }
0xf0: {  	[tilespmem:s1], [sflag:$0x1] =	stream.indirect_vreg.gather [hbm4b:s17+s2], $0x80, v2, vm0, $0xb8;
	[tilespmem:$0x10080] =	vst v63  }
0xf1: {  	s0 =	rddreg [dreg:$0x14]  }
0xf2: {  	[tilespmem:s0], [sflag:$0x1] =	stream.indirect_vreg.gather [hbm4b:s18+s2], $0x80, v2, vm0, $0xb8;
	[tilespmem:$0x10080] =	vst v63  }
0xf3: {  	s1 =	rddreg [dreg:$0x15]  }
0xf4: {  	[tilespmem:s1], [sflag:$0x1] =	stream.indirect_vreg.gather [hbm4b:s3+s2], $0x80, v63, vm0, $0xb8;
	[tilespmem:$0x10080] =	vst v63  }
0xf5: {  	s0 =	rddreg [dreg:$0x16]  }
0xf6: {  	[tilespmem:s0], [sflag:$0x1] =	stream.indirect_vreg.gather [hbm4b:s4+s2], $0x80, v63, vm0, $0xb8;
	[tilespmem:$0x10080] =	vst v63  }
0xf7: {  	s3 =	rddreg [dreg:$0x17]  }
0xf8: {  	[tilespmem:s3], [sflag:$0x1] =	stream.indirect_vreg.gather [hbm4b:s5+s2], $0x80, v63, vm0, $0xb8;
	[tilespmem:$0x10080] =	vst v63  }
0xf9: {  	s4 =	rddreg [dreg:$0x18]  }
0xfa: {  	[tilespmem:s4], [sflag:$0x1] =	stream.indirect_vreg.gather [hbm4b:s6+s2], $0x80, v63, vm0, $0xb8;
	[tilespmem:$0x10080] =	vst v63  }
0xfb: {  	s5 =	rddreg [dreg:$0x19]  }
0xfc: {  	[tilespmem:s5], [sflag:$0x1] =	stream.indirect_vreg.gather [hbm4b:s7+s2], $0x80, v63, vm0, $0xb8;
	[tilespmem:$0x10080] =	vst v63  }
0xfd: {  	s6 =	rddreg [dreg:$0x1a]  }
0xfe: {  	[tilespmem:s6], [sflag:$0x1] =	stream.indirect_vreg.gather [hbm4b:s8+s2], $0x80, v63, vm0, $0xb8;
	[tilespmem:$0x10080] =	vst v63  }
0xff: {  	s7 =	rddreg [dreg:$0x1b]  }
0x100: {  	[tilespmem:s7], [sflag:$0x1] =	stream.indirect_vreg.gather [hbm4b:s9+s2], $0x80, v63, vm0, $0xb8;
	[tilespmem:$0x10080] =	vst v63  }
0x101: {  	_ = 	snop  }
0x102: {  	[tilespmem:s22], [sflag:$0x1] =	stream.indirect_vreg.gather [hbm4b:s10+s2], $0x80, v63, vm0, $0xb8;
	[tilespmem:$0x10080] =	vst v63  }
0x103: {  	_ = 	snop  }
0x104: {  	[tilespmem:s23], [sflag:$0x1] =	stream.indirect_vreg.gather [hbm4b:s11+s2], $0x80, v63, vm0, $0xb8;
	[tilespmem:$0x10080] =	vst v63  }
0x105: {  	_ = 	snop  }
0x106: {  	[tilespmem:s24], [sflag:$0x1] =	stream.indirect_vreg.gather [hbm4b:s12+s2], $0x80, v63, vm0, $0xb8;
	[tilespmem:$0x10080] =	vst v63  }
0x107: {  	_ = 	snop  }
0x108: {  	[tilespmem:s25], [sflag:$0x1] =	stream.indirect_vreg.gather [hbm4b:s13+s2], $0x80, v63, vm0, $0xb8;
	[tilespmem:$0x10080] =	vst v63  }
0x109: {  	_ = 	snop  }
0x10a: {  	[tilespmem:s26], [sflag:$0x1] =	stream.indirect_vreg.gather [hbm4b:s14+s2], $0x80, v63, vm0, $0xb8;
	[tilespmem:$0x10080] =	vst v63  }
0x10b: {  	_ = 	snop  }
0x10c: {  	[tilespmem:s28], [sflag:$0x1] =	stream.indirect_vreg.gather [hbm4b:s15+s2], $0x80, v63, vm0, $0xb8;
	[tilespmem:$0x10080] =	vst v63  }
0x10d: {  	_ = 	snop  }
0x10e: {  	[tilespmem:s29], [sflag:$0x1] =	stream.indirect_vreg.gather [hbm4b:s16+s2], $0x80, v63, vm0, $0xb8;
	[tilespmem:$0x10080] =	vst v63  }
0x10f: {  	_ = 	snop  }
0x110: {  	[tilespmem:s31], [sflag:$0x1] =	stream.indirect_vreg.gather [hbm4b:s17+s2], $0x80, v63, vm0, $0xb8;
	[tilespmem:$0x10080] =	vst v63  }
0x111: {  	s29 =	simm.s32 $0xF880  }
0x112: {  	[tilespmem:s29], [sflag:$0x1] =	stream.indirect_vreg.gather [hbm4b:s18+s2], $0x80, v63, vm0, $0xb8;
	[tilespmem:$0x10080] =	vst v63  }
0x113: {  	_ =	swait.ge [sflag:s30], $0x10000  }
0x114: {  	[sflag:s30] =	ssyncset.done $0x0  }
0x115: {  	s31 =	rddreg [dreg:$0x4];
	[sflag:s30] =	ssyncadd.s32 $0xFFFF0000  }
0x116: {  	[hbm4b:s31+s2] =	stream.linear.scatter [tilespmem:s20], [sflag:$0x2], $0x10000, $0x38;
	[tilespmem:$0x10080] =	vst v63  }
0x117: {  	_ =	swait.ge [sflag:s19], $0x10000  }
0x118: {  	[sflag:s19] =	ssyncset.done $0x0  }
0x119: {  	[sflag:s19] =	ssyncadd.s32 $0xFFFF0000  }
0x11a: {  	s6 =	rddreg [dreg:$0x3]  }
.LBB2_8:
0x11b: {  	_ =	sfence.sel $0x180000  }
0x11c: {  	[bflag:$0x0] =	sbarrier.arrive $0xFFFF  }
0x11d: {  	p0 =	sne.s32 s21, $0x0;
	_ =	strace $0x90000047  }
0x11e: {  	s0 =	sadd.s32 @!p0 $0x100000, s6;
	[bflag:$0x2] =	sbarrier.arrive $0xFFFF  }
0x11f: {  	[sflag:s0] =	ssyncadd.tile.s32 @!p0 $0x1;
	_ =	shalt  }
.LBB2_2:
.Ltmp4:
0x120: {  	(pc) =	sbr.rel .LBB2_7-.Ltmp4, $4  }
0x121: {  	_ = 	snop  }
0x122: {  	s31 =	simm.s32 $0xF080;
	s29 =	simm.s32 $0xE880  }
0x123: {  	s28 =	simm.s32 $0xE080;
	s26 =	simm.s32 $0xD880;
	s25 =	simm.s32 $0xD080  }
0x124: {  	s24 =	simm.s32 $0xC880;
	s23 =	simm.s32 $0xC080;
	s22 =	simm.s32 $0xB880  }
.LBB2_4:
.Ltmp5:
0x125: {  	(pc) =	sbr.rel .LBB2_7-.Ltmp5, $4  }
0x126: {  	_ = 	snop  }
0x127: {  	s31 =	simm.s32 $0xF080;
	s29 =	simm.s32 $0xE880;
	s28 =	simm.s32 $0xE080  }
0x128: {  	s26 =	simm.s32 $0xD880;
	s25 =	simm.s32 $0xD080;
	s24 =	simm.s32 $0xC880  }
0x129: {  	s23 =	simm.s32 $0xC080;
	s22 =	simm.s32 $0xB880;
	s21 =	stileid.u32  }
.Lfunc_end2:
_tile_overlayer_lowered:
.L_overlay_start_2:
0x12a: {  	(tag) =	ssettag $0x2  }
0x12b: {  	s0 =	rddreg [dreg:$0x0];
	s2 =	stileid.u32  }
0x12c: {  	s1 =	rddreg [dreg:$0x1];
	p0 =	sne.s32 s2, $0x0  }
0x12d: {  	s3 =	rddreg [dreg:$0x2];
	[bflag:$0x3] =	sbarrier.arrive $0xFFFF;
	s2 =	simm.s32 @!p0 $0x1C02  }
0x12e: {  	[timem:s3], [sflag:s2] =	dma.local @!p0 [hbm:s0], s1  }
0x12f: {  	s0 =	simm.s32 @!p0 $0x2  }
0x130: {  	_ =	swait.ge @!p0 [sflag:s0], s1  }
0x131: {  	s1 =	ssub.s32 @!p0 $0x0, s1;
	[sflag:s0] =	ssyncset.done @!p0 $0x0  }
0x132: {  	[sflag:s0] =	ssyncadd.s32 @!p0 s1  }
0x133: {  	[bflag:$0x3] =	sbarrier.arrive $0xFFFF  }
0x134: {  	_ =	shalt  }

</sc_bundles>
